<compile_context>
chip_gen: v7x
topology: tpu7x:2x2x1
jax: 0.10.2.dev20260603
libtpu: 0.0.44.dev20260713+nightly
codegen_flags: <defaults>
</compile_context>

<pallas_src>
import functools

import jax
import jax.numpy as jnp
from jax import lax
from jax.experimental import pallas as pl
from jax.experimental.pallas import tpu as pltpu
from jax.experimental.pallas import tpu_sc as plsc

EMBED = 64
PACK = 128
CHUNK = 128
NC, NS = 2, 16
NW = NC * NS


def _make_lookup(n_rows: int):
  assert n_rows % (NW * CHUNK) == 0
  per_w = n_rows // NW
  n_chunks = per_w // CHUNK

  mesh = plsc.VectorSubcoreMesh(
      core_axis_name="c", subcore_axis_name="s", num_cores=NC,
      num_subcores=NS)

  NBUF = 8
  assert n_chunks > NBUF and n_chunks % NBUF == 0

  @functools.partial(
      pl.kernel,
      out_type=jax.ShapeDtypeStruct((n_rows, PACK), jnp.float32),
      mesh=mesh,
      compiler_params=pltpu.CompilerParams(use_tc_tiling_on_sc=False),
      scratch_types=[
          pltpu.VMEM((n_chunks, CHUNK), jnp.int32),
          [pltpu.VMEM((CHUNK, EMBED), jnp.float32)] * NBUF,
          [pltpu.SemaphoreType.DMA] * NBUF,
          [pltpu.SemaphoreType.DMA] * NBUF,
      ],
  )
  def lookup(table_hbm, idx_hbm, out_hbm, idx_v, bufs, gsems, psems):
    wid = lax.axis_index("s") * NC + lax.axis_index("c")
    row0 = wid * n_chunks
    out0 = wid * per_w

    pltpu.sync_copy(idx_hbm.at[pl.ds(row0, n_chunks)], idx_v)

    def gather_start(b, c):
      pltpu.async_copy(table_hbm.at[idx_v.at[c]], bufs[b], gsems[b])

    def gather_wait(b):
      pltpu.make_async_copy(table_hbm.at[idx_v.at[0]], bufs[b],
                            gsems[b]).wait()

    def put_start(b, c):
      pltpu.async_copy(bufs[b],
                       out_hbm.at[pl.ds(out0 + c * CHUNK, CHUNK),
                                  pl.ds(0, EMBED)],
                       psems[b])

    def put_wait(b):
      pltpu.make_async_copy(bufs[b],
                            out_hbm.at[pl.ds(out0, CHUNK), pl.ds(0, EMBED)],
                            psems[b]).wait()

    for b in range(NBUF):
      gather_start(b, b)

    @pl.loop(0, n_chunks - NBUF, step=NBUF)
    def _(g):
      for b in range(NBUF):
        gather_wait(b)
        put_start(b, g + b)
      for b in range(NBUF):
        put_wait(b)
        gather_start(b, g + NBUF + b)

    for b in range(NBUF):
      gather_wait(b)
      put_start(b, n_chunks - NBUF + b)
    for b in range(NBUF):
      put_wait(b)

  return lookup


@jax.jit
def kernel(x, dependency_embeddings):
  b, s = x.shape
  n = b * s
  idx = x.reshape(n // CHUNK, CHUNK).astype(jnp.int32)
  out = _make_lookup(n)(dependency_embeddings, idx)
  return out[:, :EMBED].reshape(b, s, EMBED)

# --- scband reference (transcript-rebuilt; emitter-appended) ---
"""Pipeline reference for scband-dependency-tokens-29953101922369 (READ-ONLY COPY).

The authoritative reference and input builder live on the scoring server;
editing this copy changes nothing except your own understanding.
"""

import jax, jax.numpy as jnp
import numpy as np

NUM_DEPENDENCY = 100000
EMBED_DIM = 64
# Stand-in for GlobalToolConfig.dependency_token_start; indices are generated
# already offset by this value so (x - start) lands in [0, NUM_DEPENDENCY].
DEPENDENCY_TOKEN_START = 0


def setup_inputs(seed: int = 0) -> dict:
    key = jax.random.key(seed)
    k_x, k_w = jax.random.split(key)
    x = jax.random.randint(k_x, (4096, 200), DEPENDENCY_TOKEN_START,
                           DEPENDENCY_TOKEN_START + NUM_DEPENDENCY + 1,
                           dtype=jnp.int64 if jax.config.jax_enable_x64 else jnp.int32)
    dependency_embeddings = jax.random.normal(k_w, (NUM_DEPENDENCY + 1, EMBED_DIM), dtype=jnp.float32)
    return {"x": x, "dependency_embeddings": dependency_embeddings}


def reference(x, dependency_embeddings):
    # forward: self.dependency_embeddings(x - GlobalToolConfig.dependency_token_start)
    idx = x - DEPENDENCY_TOKEN_START
    return jnp.take(dependency_embeddings, idx, axis=0)

if __name__ == "__main__":
    import jax
    _d = setup_inputs()
    print(jax.jit(kernel)(*tuple(_d.values())))

</pallas_src>

<mosaic_0001>
#map = affine_map<(d0, d1) -> (0, 0)>
module attributes {stable_mosaic.version = 14 : i64} {
  func.func @lookup(%arg0: i32, %arg1: i32, %arg2: memref<100001x64xf32, #tpu.memory_space<hbm>>, %arg3: memref<6400x128xi32, #tpu.memory_space<hbm>>, %arg4: memref<819200x128xf32, #tpu.memory_space<hbm>>, %arg5: memref<200x128xi32, #tpu.memory_space<vmem>>, %arg6: memref<128x64xf32, #tpu.memory_space<vmem>>, %arg7: memref<128x64xf32, #tpu.memory_space<vmem>>, %arg8: memref<128x64xf32, #tpu.memory_space<vmem>>, %arg9: memref<128x64xf32, #tpu.memory_space<vmem>>, %arg10: memref<128x64xf32, #tpu.memory_space<vmem>>, %arg11: memref<128x64xf32, #tpu.memory_space<vmem>>, %arg12: memref<128x64xf32, #tpu.memory_space<vmem>>, %arg13: memref<128x64xf32, #tpu.memory_space<vmem>>, %arg14: memref<!tpu.dma_semaphore, #tpu.memory_space<semaphore_mem>>, %arg15: memref<!tpu.dma_semaphore, #tpu.memory_space<semaphore_mem>>, %arg16: memref<!tpu.dma_semaphore, #tpu.memory_space<semaphore_mem>>, %arg17: memref<!tpu.dma_semaphore, #tpu.memory_space<semaphore_mem>>, %arg18: memref<!tpu.dma_semaphore, #tpu.memory_space<semaphore_mem>>, %arg19: memref<!tpu.dma_semaphore, #tpu.memory_space<semaphore_mem>>, %arg20: memref<!tpu.dma_semaphore, #tpu.memory_space<semaphore_mem>>, %arg21: memref<!tpu.dma_semaphore, #tpu.memory_space<semaphore_mem>>, %arg22: memref<!tpu.dma_semaphore, #tpu.memory_space<semaphore_mem>>, %arg23: memref<!tpu.dma_semaphore, #tpu.memory_space<semaphore_mem>>, %arg24: memref<!tpu.dma_semaphore, #tpu.memory_space<semaphore_mem>>, %arg25: memref<!tpu.dma_semaphore, #tpu.memory_space<semaphore_mem>>, %arg26: memref<!tpu.dma_semaphore, #tpu.memory_space<semaphore_mem>>, %arg27: memref<!tpu.dma_semaphore, #tpu.memory_space<semaphore_mem>>, %arg28: memref<!tpu.dma_semaphore, #tpu.memory_space<semaphore_mem>>, %arg29: memref<!tpu.dma_semaphore, #tpu.memory_space<semaphore_mem>>) attributes {dimension_semantics = [#tpu.dimension_semantics<core_parallel>, #tpu.dimension_semantics<subcore_parallel>], iteration_bounds = array<i64: 2, 16>, scalar_prefetch = 0 : i64, scratch_operands = 25 : i64, tpu.core_type = #tpu.core_type<sc_vector_subcore>, window_params = [{transform_indices = #map}, {transform_indices = #map}, {transform_indices = #map}]} {
    %mul3A = arith.constant 2 : i32
    %mul3A_0 = arith.muli %arg1, %mul3A : i32
    %add3A = arith.addi %mul3A_0, %arg0 : i32
    %mul3A_1 = arith.constant 200 : i32
    %mul3A_2 = arith.muli %add3A, %mul3A_1 : i32
    %mul3A_3 = arith.constant 25600 : i32
    %mul3A_4 = arith.muli %add3A, %mul3A_3 : i32
    "tpu.region"() ({
      %run_scoped3A = tpu.sem_alloc : memref<!tpu.dma_semaphore, #tpu.memory_space<semaphore_mem>>
      %dma_start3A_199 = arith.constant 0 : i32
      %dma_start3A_200 = tpu.memref_slice %arg3[%mul3A_2, %dma_start3A_199] : memref<6400x128xi32, #tpu.memory_space<hbm>> -> memref<200x128xi32, #tpu.memory_space<hbm>>
      %dma_start3A_201 = arith.constant 0 : i32
      %dma_start3A_202 = tpu.memref_slice %arg3[%mul3A_2, %dma_start3A_201] : memref<6400x128xi32, #tpu.memory_space<hbm>> -> memref<200x128xi32, #tpu.memory_space<hbm>>
      tpu.enqueue_dma source(%dma_start3A_202 : memref<200x128xi32, #tpu.memory_space<hbm>>) target(%arg5 : memref<200x128xi32, #tpu.memory_space<vmem>>) target_semaphore(%run_scoped3A : memref<!tpu.dma_semaphore, #tpu.memory_space<semaphore_mem>>)
      %dma_wait3A_203 = arith.constant 0 : i32
      %dma_wait3A_204 = tpu.memref_slice %arg3[%mul3A_2, %dma_wait3A_203] : memref<6400x128xi32, #tpu.memory_space<hbm>> -> memref<200x128xi32, #tpu.memory_space<hbm>>
      %dma_wait3A_205 = arith.constant 0 : i32
      %dma_wait3A_206 = tpu.memref_slice %arg3[%mul3A_2, %dma_wait3A_205] : memref<6400x128xi32, #tpu.memory_space<hbm>> -> memref<200x128xi32, #tpu.memory_space<hbm>>
      tpu.wait_dma2 semaphore(%run_scoped3A : memref<!tpu.dma_semaphore, #tpu.memory_space<semaphore_mem>>) src(%dma_wait3A_206 : memref<200x128xi32, #tpu.memory_space<hbm>>) dst(%arg5 : memref<200x128xi32, #tpu.memory_space<vmem>>)
      tpu.yield
    }) : () -> ()
    %dma_start3A = arith.constant 0 : i32
    %dma_start3A_5 = arith.constant 0 : i32
    %dma_start3A_6 = tpu.memref_slice %arg5[%dma_start3A, %dma_start3A_5] : memref<200x128xi32, #tpu.memory_space<vmem>> -> memref<1x128xi32, #tpu.memory_space<vmem>>
    %dma_start3A_7 = tpu.memref_squeeze %dma_start3A_6 : memref<1x128xi32, #tpu.memory_space<vmem>> -> memref<128xi32, #tpu.memory_space<vmem>>
    %dma_start3A_8 = arith.constant 0 : i32
    %dma_start3A_9 = arith.constant 0 : i32
    %dma_start3A_10 = tpu.memref_slice %arg2[%dma_start3A_8, %dma_start3A_9] : memref<100001x64xf32, #tpu.memory_space<hbm>> -> memref<100001x64xf32, #tpu.memory_space<hbm>>
    tpu.enqueue_indirect_dma source(%dma_start3A_10 : memref<100001x64xf32, #tpu.memory_space<hbm>>) target(%arg6 : memref<128x64xf32, #tpu.memory_space<vmem>>) offsets(%dma_start3A_7 : memref<128xi32, #tpu.memory_space<vmem>>) semaphore(%arg14 : memref<!tpu.dma_semaphore, #tpu.memory_space<semaphore_mem>>)
    %dma_start3A_11 = arith.constant 1 : i32
    %dma_start3A_12 = arith.constant 0 : i32
    %dma_start3A_13 = tpu.memref_slice %arg5[%dma_start3A_11, %dma_start3A_12] : memref<200x128xi32, #tpu.memory_space<vmem>> -> memref<1x128xi32, #tpu.memory_space<vmem>>
    %dma_start3A_14 = tpu.memref_squeeze %dma_start3A_13 : memref<1x128xi32, #tpu.memory_space<vmem>> -> memref<128xi32, #tpu.memory_space<vmem>>
    %dma_start3A_15 = arith.constant 0 : i32
    %dma_start3A_16 = arith.constant 0 : i32
    %dma_start3A_17 = tpu.memref_slice %arg2[%dma_start3A_15, %dma_start3A_16] : memref<100001x64xf32, #tpu.memory_space<hbm>> -> memref<100001x64xf32, #tpu.memory_space<hbm>>
    tpu.enqueue_indirect_dma source(%dma_start3A_17 : memref<100001x64xf32, #tpu.memory_space<hbm>>) target(%arg7 : memref<128x64xf32, #tpu.memory_space<vmem>>) offsets(%dma_start3A_14 : memref<128xi32, #tpu.memory_space<vmem>>) semaphore(%arg15 : memref<!tpu.dma_semaphore, #tpu.memory_space<semaphore_mem>>)
    %dma_start3A_18 = arith.constant 2 : i32
    %dma_start3A_19 = arith.constant 0 : i32
    %dma_start3A_20 = tpu.memref_slice %arg5[%dma_start3A_18, %dma_start3A_19] : memref<200x128xi32, #tpu.memory_space<vmem>> -> memref<1x128xi32, #tpu.memory_space<vmem>>
    %dma_start3A_21 = tpu.memref_squeeze %dma_start3A_20 : memref<1x128xi32, #tpu.memory_space<vmem>> -> memref<128xi32, #tpu.memory_space<vmem>>
    %dma_start3A_22 = arith.constant 0 : i32
    %dma_start3A_23 = arith.constant 0 : i32
    %dma_start3A_24 = tpu.memref_slice %arg2[%dma_start3A_22, %dma_start3A_23] : memref<100001x64xf32, #tpu.memory_space<hbm>> -> memref<100001x64xf32, #tpu.memory_space<hbm>>
    tpu.enqueue_indirect_dma source(%dma_start3A_24 : memref<100001x64xf32, #tpu.memory_space<hbm>>) target(%arg8 : memref<128x64xf32, #tpu.memory_space<vmem>>) offsets(%dma_start3A_21 : memref<128xi32, #tpu.memory_space<vmem>>) semaphore(%arg16 : memref<!tpu.dma_semaphore, #tpu.memory_space<semaphore_mem>>)
    %dma_start3A_25 = arith.constant 3 : i32
    %dma_start3A_26 = arith.constant 0 : i32
    %dma_start3A_27 = tpu.memref_slice %arg5[%dma_start3A_25, %dma_start3A_26] : memref<200x128xi32, #tpu.memory_space<vmem>> -> memref<1x128xi32, #tpu.memory_space<vmem>>
    %dma_start3A_28 = tpu.memref_squeeze %dma_start3A_27 : memref<1x128xi32, #tpu.memory_space<vmem>> -> memref<128xi32, #tpu.memory_space<vmem>>
    %dma_start3A_29 = arith.constant 0 : i32
    %dma_start3A_30 = arith.constant 0 : i32
    %dma_start3A_31 = tpu.memref_slice %arg2[%dma_start3A_29, %dma_start3A_30] : memref<100001x64xf32, #tpu.memory_space<hbm>> -> memref<100001x64xf32, #tpu.memory_space<hbm>>
    tpu.enqueue_indirect_dma source(%dma_start3A_31 : memref<100001x64xf32, #tpu.memory_space<hbm>>) target(%arg9 : memref<128x64xf32, #tpu.memory_space<vmem>>) offsets(%dma_start3A_28 : memref<128xi32, #tpu.memory_space<vmem>>) semaphore(%arg17 : memref<!tpu.dma_semaphore, #tpu.memory_space<semaphore_mem>>)
    %dma_start3A_32 = arith.constant 4 : i32
    %dma_start3A_33 = arith.constant 0 : i32
    %dma_start3A_34 = tpu.memref_slice %arg5[%dma_start3A_32, %dma_start3A_33] : memref<200x128xi32, #tpu.memory_space<vmem>> -> memref<1x128xi32, #tpu.memory_space<vmem>>
    %dma_start3A_35 = tpu.memref_squeeze %dma_start3A_34 : memref<1x128xi32, #tpu.memory_space<vmem>> -> memref<128xi32, #tpu.memory_space<vmem>>
    %dma_start3A_36 = arith.constant 0 : i32
    %dma_start3A_37 = arith.constant 0 : i32
    %dma_start3A_38 = tpu.memref_slice %arg2[%dma_start3A_36, %dma_start3A_37] : memref<100001x64xf32, #tpu.memory_space<hbm>> -> memref<100001x64xf32, #tpu.memory_space<hbm>>
    tpu.enqueue_indirect_dma source(%dma_start3A_38 : memref<100001x64xf32, #tpu.memory_space<hbm>>) target(%arg10 : memref<128x64xf32, #tpu.memory_space<vmem>>) offsets(%dma_start3A_35 : memref<128xi32, #tpu.memory_space<vmem>>) semaphore(%arg18 : memref<!tpu.dma_semaphore, #tpu.memory_space<semaphore_mem>>)
    %dma_start3A_39 = arith.constant 5 : i32
    %dma_start3A_40 = arith.constant 0 : i32
    %dma_start3A_41 = tpu.memref_slice %arg5[%dma_start3A_39, %dma_start3A_40] : memref<200x128xi32, #tpu.memory_space<vmem>> -> memref<1x128xi32, #tpu.memory_space<vmem>>
    %dma_start3A_42 = tpu.memref_squeeze %dma_start3A_41 : memref<1x128xi32, #tpu.memory_space<vmem>> -> memref<128xi32, #tpu.memory_space<vmem>>
    %dma_start3A_43 = arith.constant 0 : i32
    %dma_start3A_44 = arith.constant 0 : i32
    %dma_start3A_45 = tpu.memref_slice %arg2[%dma_start3A_43, %dma_start3A_44] : memref<100001x64xf32, #tpu.memory_space<hbm>> -> memref<100001x64xf32, #tpu.memory_space<hbm>>
    tpu.enqueue_indirect_dma source(%dma_start3A_45 : memref<100001x64xf32, #tpu.memory_space<hbm>>) target(%arg11 : memref<128x64xf32, #tpu.memory_space<vmem>>) offsets(%dma_start3A_42 : memref<128xi32, #tpu.memory_space<vmem>>) semaphore(%arg19 : memref<!tpu.dma_semaphore, #tpu.memory_space<semaphore_mem>>)
    %dma_start3A_46 = arith.constant 6 : i32
    %dma_start3A_47 = arith.constant 0 : i32
    %dma_start3A_48 = tpu.memref_slice %arg5[%dma_start3A_46, %dma_start3A_47] : memref<200x128xi32, #tpu.memory_space<vmem>> -> memref<1x128xi32, #tpu.memory_space<vmem>>
    %dma_start3A_49 = tpu.memref_squeeze %dma_start3A_48 : memref<1x128xi32, #tpu.memory_space<vmem>> -> memref<128xi32, #tpu.memory_space<vmem>>
    %dma_start3A_50 = arith.constant 0 : i32
    %dma_start3A_51 = arith.constant 0 : i32
    %dma_start3A_52 = tpu.memref_slice %arg2[%dma_start3A_50, %dma_start3A_51] : memref<100001x64xf32, #tpu.memory_space<hbm>> -> memref<100001x64xf32, #tpu.memory_space<hbm>>
    tpu.enqueue_indirect_dma source(%dma_start3A_52 : memref<100001x64xf32, #tpu.memory_space<hbm>>) target(%arg12 : memref<128x64xf32, #tpu.memory_space<vmem>>) offsets(%dma_start3A_49 : memref<128xi32, #tpu.memory_space<vmem>>) semaphore(%arg20 : memref<!tpu.dma_semaphore, #tpu.memory_space<semaphore_mem>>)
    %dma_start3A_53 = arith.constant 7 : i32
    %dma_start3A_54 = arith.constant 0 : i32
    %dma_start3A_55 = tpu.memref_slice %arg5[%dma_start3A_53, %dma_start3A_54] : memref<200x128xi32, #tpu.memory_space<vmem>> -> memref<1x128xi32, #tpu.memory_space<vmem>>
    %dma_start3A_56 = tpu.memref_squeeze %dma_start3A_55 : memref<1x128xi32, #tpu.memory_space<vmem>> -> memref<128xi32, #tpu.memory_space<vmem>>
    %dma_start3A_57 = arith.constant 0 : i32
    %dma_start3A_58 = arith.constant 0 : i32
    %dma_start3A_59 = tpu.memref_slice %arg2[%dma_start3A_57, %dma_start3A_58] : memref<100001x64xf32, #tpu.memory_space<hbm>> -> memref<100001x64xf32, #tpu.memory_space<hbm>>
    tpu.enqueue_indirect_dma source(%dma_start3A_59 : memref<100001x64xf32, #tpu.memory_space<hbm>>) target(%arg13 : memref<128x64xf32, #tpu.memory_space<vmem>>) offsets(%dma_start3A_56 : memref<128xi32, #tpu.memory_space<vmem>>) semaphore(%arg21 : memref<!tpu.dma_semaphore, #tpu.memory_space<semaphore_mem>>)
    %scan3A = arith.constant 0 : i32
    %scan3A_60 = arith.constant 24 : i32
    %scan3A_61 = arith.addi %scan3A, %scan3A_60 : i32
    %scan3A_62 = arith.constant 1 : i32
    scf.for %scan3A_199 = %scan3A to %scan3A_61 step %scan3A_62  : i32 {
      %mul3A_200 = arith.constant 8 : i32
      %mul3A_201 = arith.muli %scan3A_199, %mul3A_200 : i32
      %add3A_202 = arith.constant 0 : i32
      %add3A_203 = arith.addi %add3A_202, %mul3A_201 : i32
      %dma_wait3A_204 = arith.constant 0 : i32
      %dma_wait3A_205 = arith.constant 0 : i32
      %dma_wait3A_206 = tpu.memref_slice %arg5[%dma_wait3A_204, %dma_wait3A_205] : memref<200x128xi32, #tpu.memory_space<vmem>> -> memref<1x128xi32, #tpu.memory_space<vmem>>
      %dma_wait3A_207 = tpu.memref_squeeze %dma_wait3A_206 : memref<1x128xi32, #tpu.memory_space<vmem>> -> memref<128xi32, #tpu.memory_space<vmem>>
      %dma_wait3A_208 = arith.constant 0 : i32
      %dma_wait3A_209 = arith.constant 0 : i32
      %dma_wait3A_210 = tpu.memref_slice %arg2[%dma_wait3A_208, %dma_wait3A_209] : memref<100001x64xf32, #tpu.memory_space<hbm>> -> memref<100001x64xf32, #tpu.memory_space<hbm>>
      tpu.wait_indirect_dma semaphore(%arg14 : memref<!tpu.dma_semaphore, #tpu.memory_space<semaphore_mem>>) src(%dma_wait3A_210 : memref<100001x64xf32, #tpu.memory_space<hbm>>) dst(%arg6 : memref<128x64xf32, #tpu.memory_space<vmem>>)
      %add3A_211 = arith.constant 0 : i32
      %add3A_212 = arith.addi %add3A_203, %add3A_211 : i32
      %mul3A_213 = arith.constant 128 : i32
      %mul3A_214 = arith.muli %add3A_212, %mul3A_213 : i32
      %add3A_215 = arith.addi %mul3A_4, %mul3A_214 : i32
      %dma_start3A_216 = arith.constant 0 : i32
      %dma_start3A_217 = tpu.memref_slice %arg4[%add3A_215, %dma_start3A_216] : memref<819200x128xf32, #tpu.memory_space<hbm>> -> memref<128x64xf32, #tpu.memory_space<hbm>>
      %dma_start3A_218 = arith.constant 0 : i32
      %dma_start3A_219 = tpu.memref_slice %arg4[%add3A_215, %dma_start3A_218] : memref<819200x128xf32, #tpu.memory_space<hbm>> -> memref<128x64xf32, #tpu.memory_space<hbm>>
      tpu.enqueue_dma source(%arg6 : memref<128x64xf32, #tpu.memory_space<vmem>>) target(%dma_start3A_219 : memref<128x64xf32, #tpu.memory_space<hbm>>) target_semaphore(%arg22 : memref<!tpu.dma_semaphore, #tpu.memory_space<semaphore_mem>>)
      %dma_wait3A_220 = arith.constant 0 : i32
      %dma_wait3A_221 = arith.constant 0 : i32
      %dma_wait3A_222 = tpu.memref_slice %arg5[%dma_wait3A_220, %dma_wait3A_221] : memref<200x128xi32, #tpu.memory_space<vmem>> -> memref<1x128xi32, #tpu.memory_space<vmem>>
      %dma_wait3A_223 = tpu.memref_squeeze %dma_wait3A_222 : memref<1x128xi32, #tpu.memory_space<vmem>> -> memref<128xi32, #tpu.memory_space<vmem>>
      %dma_wait3A_224 = arith.constant 0 : i32
      %dma_wait3A_225 = arith.constant 0 : i32
      %dma_wait3A_226 = tpu.memref_slice %arg2[%dma_wait3A_224, %dma_wait3A_225] : memref<100001x64xf32, #tpu.memory_space<hbm>> -> memref<100001x64xf32, #tpu.memory_space<hbm>>
      tpu.wait_indirect_dma semaphore(%arg15 : memref<!tpu.dma_semaphore, #tpu.memory_space<semaphore_mem>>) src(%dma_wait3A_226 : memref<100001x64xf32, #tpu.memory_space<hbm>>) dst(%arg7 : memref<128x64xf32, #tpu.memory_space<vmem>>)
      %add3A_227 = arith.constant 1 : i32
      %add3A_228 = arith.addi %add3A_203, %add3A_227 : i32
      %mul3A_229 = arith.constant 128 : i32
      %mul3A_230 = arith.muli %add3A_228, %mul3A_229 : i32
      %add3A_231 = arith.addi %mul3A_4, %mul3A_230 : i32
      %dma_start3A_232 = arith.constant 0 : i32
      %dma_start3A_233 = tpu.memref_slice %arg4[%add3A_231, %dma_start3A_232] : memref<819200x128xf32, #tpu.memory_space<hbm>> -> memref<128x64xf32, #tpu.memory_space<hbm>>
      %dma_start3A_234 = arith.constant 0 : i32
      %dma_start3A_235 = tpu.memref_slice %arg4[%add3A_231, %dma_start3A_234] : memref<819200x128xf32, #tpu.memory_space<hbm>> -> memref<128x64xf32, #tpu.memory_space<hbm>>
      tpu.enqueue_dma source(%arg7 : memref<128x64xf32, #tpu.memory_space<vmem>>) target(%dma_start3A_235 : memref<128x64xf32, #tpu.memory_space<hbm>>) target_semaphore(%arg23 : memref<!tpu.dma_semaphore, #tpu.memory_space<semaphore_mem>>)
      %dma_wait3A_236 = arith.constant 0 : i32
      %dma_wait3A_237 = arith.constant 0 : i32
      %dma_wait3A_238 = tpu.memref_slice %arg5[%dma_wait3A_236, %dma_wait3A_237] : memref<200x128xi32, #tpu.memory_space<vmem>> -> memref<1x128xi32, #tpu.memory_space<vmem>>
      %dma_wait3A_239 = tpu.memref_squeeze %dma_wait3A_238 : memref<1x128xi32, #tpu.memory_space<vmem>> -> memref<128xi32, #tpu.memory_space<vmem>>
      %dma_wait3A_240 = arith.constant 0 : i32
      %dma_wait3A_241 = arith.constant 0 : i32
      %dma_wait3A_242 = tpu.memref_slice %arg2[%dma_wait3A_240, %dma_wait3A_241] : memref<100001x64xf32, #tpu.memory_space<hbm>> -> memref<100001x64xf32, #tpu.memory_space<hbm>>
      tpu.wait_indirect_dma semaphore(%arg16 : memref<!tpu.dma_semaphore, #tpu.memory_space<semaphore_mem>>) src(%dma_wait3A_242 : memref<100001x64xf32, #tpu.memory_space<hbm>>) dst(%arg8 : memref<128x64xf32, #tpu.memory_space<vmem>>)
      %add3A_243 = arith.constant 2 : i32
      %add3A_244 = arith.addi %add3A_203, %add3A_243 : i32
      %mul3A_245 = arith.constant 128 : i32
      %mul3A_246 = arith.muli %add3A_244, %mul3A_245 : i32
      %add3A_247 = arith.addi %mul3A_4, %mul3A_246 : i32
      %dma_start3A_248 = arith.constant 0 : i32
      %dma_start3A_249 = tpu.memref_slice %arg4[%add3A_247, %dma_start3A_248] : memref<819200x128xf32, #tpu.memory_space<hbm>> -> memref<128x64xf32, #tpu.memory_space<hbm>>
      %dma_start3A_250 = arith.constant 0 : i32
      %dma_start3A_251 = tpu.memref_slice %arg4[%add3A_247, %dma_start3A_250] : memref<819200x128xf32, #tpu.memory_space<hbm>> -> memref<128x64xf32, #tpu.memory_space<hbm>>
      tpu.enqueue_dma source(%arg8 : memref<128x64xf32, #tpu.memory_space<vmem>>) target(%dma_start3A_251 : memref<128x64xf32, #tpu.memory_space<hbm>>) target_semaphore(%arg24 : memref<!tpu.dma_semaphore, #tpu.memory_space<semaphore_mem>>)
      %dma_wait3A_252 = arith.constant 0 : i32
      %dma_wait3A_253 = arith.constant 0 : i32
      %dma_wait3A_254 = tpu.memref_slice %arg5[%dma_wait3A_252, %dma_wait3A_253] : memref<200x128xi32, #tpu.memory_space<vmem>> -> memref<1x128xi32, #tpu.memory_space<vmem>>
      %dma_wait3A_255 = tpu.memref_squeeze %dma_wait3A_254 : memref<1x128xi32, #tpu.memory_space<vmem>> -> memref<128xi32, #tpu.memory_space<vmem>>
      %dma_wait3A_256 = arith.constant 0 : i32
      %dma_wait3A_257 = arith.constant 0 : i32
      %dma_wait3A_258 = tpu.memref_slice %arg2[%dma_wait3A_256, %dma_wait3A_257] : memref<100001x64xf32, #tpu.memory_space<hbm>> -> memref<100001x64xf32, #tpu.memory_space<hbm>>
      tpu.wait_indirect_dma semaphore(%arg17 : memref<!tpu.dma_semaphore, #tpu.memory_space<semaphore_mem>>) src(%dma_wait3A_258 : memref<100001x64xf32, #tpu.memory_space<hbm>>) dst(%arg9 : memref<128x64xf32, #tpu.memory_space<vmem>>)
      %add3A_259 = arith.constant 3 : i32
      %add3A_260 = arith.addi %add3A_203, %add3A_259 : i32
      %mul3A_261 = arith.constant 128 : i32
      %mul3A_262 = arith.muli %add3A_260, %mul3A_261 : i32
      %add3A_263 = arith.addi %mul3A_4, %mul3A_262 : i32
      %dma_start3A_264 = arith.constant 0 : i32
      %dma_start3A_265 = tpu.memref_slice %arg4[%add3A_263, %dma_start3A_264] : memref<819200x128xf32, #tpu.memory_space<hbm>> -> memref<128x64xf32, #tpu.memory_space<hbm>>
      %dma_start3A_266 = arith.constant 0 : i32
      %dma_start3A_267 = tpu.memref_slice %arg4[%add3A_263, %dma_start3A_266] : memref<819200x128xf32, #tpu.memory_space<hbm>> -> memref<128x64xf32, #tpu.memory_space<hbm>>
      tpu.enqueue_dma source(%arg9 : memref<128x64xf32, #tpu.memory_space<vmem>>) target(%dma_start3A_267 : memref<128x64xf32, #tpu.memory_space<hbm>>) target_semaphore(%arg25 : memref<!tpu.dma_semaphore, #tpu.memory_space<semaphore_mem>>)
      %dma_wait3A_268 = arith.constant 0 : i32
      %dma_wait3A_269 = arith.constant 0 : i32
      %dma_wait3A_270 = tpu.memref_slice %arg5[%dma_wait3A_268, %dma_wait3A_269] : memref<200x128xi32, #tpu.memory_space<vmem>> -> memref<1x128xi32, #tpu.memory_space<vmem>>
      %dma_wait3A_271 = tpu.memref_squeeze %dma_wait3A_270 : memref<1x128xi32, #tpu.memory_space<vmem>> -> memref<128xi32, #tpu.memory_space<vmem>>
      %dma_wait3A_272 = arith.constant 0 : i32
      %dma_wait3A_273 = arith.constant 0 : i32
      %dma_wait3A_274 = tpu.memref_slice %arg2[%dma_wait3A_272, %dma_wait3A_273] : memref<100001x64xf32, #tpu.memory_space<hbm>> -> memref<100001x64xf32, #tpu.memory_space<hbm>>
      tpu.wait_indirect_dma semaphore(%arg18 : memref<!tpu.dma_semaphore, #tpu.memory_space<semaphore_mem>>) src(%dma_wait3A_274 : memref<100001x64xf32, #tpu.memory_space<hbm>>) dst(%arg10 : memref<128x64xf32, #tpu.memory_space<vmem>>)
      %add3A_275 = arith.constant 4 : i32
      %add3A_276 = arith.addi %add3A_203, %add3A_275 : i32
      %mul3A_277 = arith.constant 128 : i32
      %mul3A_278 = arith.muli %add3A_276, %mul3A_277 : i32
      %add3A_279 = arith.addi %mul3A_4, %mul3A_278 : i32
      %dma_start3A_280 = arith.constant 0 : i32
      %dma_start3A_281 = tpu.memref_slice %arg4[%add3A_279, %dma_start3A_280] : memref<819200x128xf32, #tpu.memory_space<hbm>> -> memref<128x64xf32, #tpu.memory_space<hbm>>
      %dma_start3A_282 = arith.constant 0 : i32
      %dma_start3A_283 = tpu.memref_slice %arg4[%add3A_279, %dma_start3A_282] : memref<819200x128xf32, #tpu.memory_space<hbm>> -> memref<128x64xf32, #tpu.memory_space<hbm>>
      tpu.enqueue_dma source(%arg10 : memref<128x64xf32, #tpu.memory_space<vmem>>) target(%dma_start3A_283 : memref<128x64xf32, #tpu.memory_space<hbm>>) target_semaphore(%arg26 : memref<!tpu.dma_semaphore, #tpu.memory_space<semaphore_mem>>)
      %dma_wait3A_284 = arith.constant 0 : i32
      %dma_wait3A_285 = arith.constant 0 : i32
      %dma_wait3A_286 = tpu.memref_slice %arg5[%dma_wait3A_284, %dma_wait3A_285] : memref<200x128xi32, #tpu.memory_space<vmem>> -> memref<1x128xi32, #tpu.memory_space<vmem>>
      %dma_wait3A_287 = tpu.memref_squeeze %dma_wait3A_286 : memref<1x128xi32, #tpu.memory_space<vmem>> -> memref<128xi32, #tpu.memory_space<vmem>>
      %dma_wait3A_288 = arith.constant 0 : i32
      %dma_wait3A_289 = arith.constant 0 : i32
      %dma_wait3A_290 = tpu.memref_slice %arg2[%dma_wait3A_288, %dma_wait3A_289] : memref<100001x64xf32, #tpu.memory_space<hbm>> -> memref<100001x64xf32, #tpu.memory_space<hbm>>
      tpu.wait_indirect_dma semaphore(%arg19 : memref<!tpu.dma_semaphore, #tpu.memory_space<semaphore_mem>>) src(%dma_wait3A_290 : memref<100001x64xf32, #tpu.memory_space<hbm>>) dst(%arg11 : memref<128x64xf32, #tpu.memory_space<vmem>>)
      %add3A_291 = arith.constant 5 : i32
      %add3A_292 = arith.addi %add3A_203, %add3A_291 : i32
      %mul3A_293 = arith.constant 128 : i32
      %mul3A_294 = arith.muli %add3A_292, %mul3A_293 : i32
      %add3A_295 = arith.addi %mul3A_4, %mul3A_294 : i32
      %dma_start3A_296 = arith.constant 0 : i32
      %dma_start3A_297 = tpu.memref_slice %arg4[%add3A_295, %dma_start3A_296] : memref<819200x128xf32, #tpu.memory_space<hbm>> -> memref<128x64xf32, #tpu.memory_space<hbm>>
      %dma_start3A_298 = arith.constant 0 : i32
      %dma_start3A_299 = tpu.memref_slice %arg4[%add3A_295, %dma_start3A_298] : memref<819200x128xf32, #tpu.memory_space<hbm>> -> memref<128x64xf32, #tpu.memory_space<hbm>>
      tpu.enqueue_dma source(%arg11 : memref<128x64xf32, #tpu.memory_space<vmem>>) target(%dma_start3A_299 : memref<128x64xf32, #tpu.memory_space<hbm>>) target_semaphore(%arg27 : memref<!tpu.dma_semaphore, #tpu.memory_space<semaphore_mem>>)
      %dma_wait3A_300 = arith.constant 0 : i32
      %dma_wait3A_301 = arith.constant 0 : i32
      %dma_wait3A_302 = tpu.memref_slice %arg5[%dma_wait3A_300, %dma_wait3A_301] : memref<200x128xi32, #tpu.memory_space<vmem>> -> memref<1x128xi32, #tpu.memory_space<vmem>>
      %dma_wait3A_303 = tpu.memref_squeeze %dma_wait3A_302 : memref<1x128xi32, #tpu.memory_space<vmem>> -> memref<128xi32, #tpu.memory_space<vmem>>
      %dma_wait3A_304 = arith.constant 0 : i32
      %dma_wait3A_305 = arith.constant 0 : i32
      %dma_wait3A_306 = tpu.memref_slice %arg2[%dma_wait3A_304, %dma_wait3A_305] : memref<100001x64xf32, #tpu.memory_space<hbm>> -> memref<100001x64xf32, #tpu.memory_space<hbm>>
      tpu.wait_indirect_dma semaphore(%arg20 : memref<!tpu.dma_semaphore, #tpu.memory_space<semaphore_mem>>) src(%dma_wait3A_306 : memref<100001x64xf32, #tpu.memory_space<hbm>>) dst(%arg12 : memref<128x64xf32, #tpu.memory_space<vmem>>)
      %add3A_307 = arith.constant 6 : i32
      %add3A_308 = arith.addi %add3A_203, %add3A_307 : i32
      %mul3A_309 = arith.constant 128 : i32
      %mul3A_310 = arith.muli %add3A_308, %mul3A_309 : i32
      %add3A_311 = arith.addi %mul3A_4, %mul3A_310 : i32
      %dma_start3A_312 = arith.constant 0 : i32
      %dma_start3A_313 = tpu.memref_slice %arg4[%add3A_311, %dma_start3A_312] : memref<819200x128xf32, #tpu.memory_space<hbm>> -> memref<128x64xf32, #tpu.memory_space<hbm>>
      %dma_start3A_314 = arith.constant 0 : i32
      %dma_start3A_315 = tpu.memref_slice %arg4[%add3A_311, %dma_start3A_314] : memref<819200x128xf32, #tpu.memory_space<hbm>> -> memref<128x64xf32, #tpu.memory_space<hbm>>
      tpu.enqueue_dma source(%arg12 : memref<128x64xf32, #tpu.memory_space<vmem>>) target(%dma_start3A_315 : memref<128x64xf32, #tpu.memory_space<hbm>>) target_semaphore(%arg28 : memref<!tpu.dma_semaphore, #tpu.memory_space<semaphore_mem>>)
      %dma_wait3A_316 = arith.constant 0 : i32
      %dma_wait3A_317 = arith.constant 0 : i32
      %dma_wait3A_318 = tpu.memref_slice %arg5[%dma_wait3A_316, %dma_wait3A_317] : memref<200x128xi32, #tpu.memory_space<vmem>> -> memref<1x128xi32, #tpu.memory_space<vmem>>
      %dma_wait3A_319 = tpu.memref_squeeze %dma_wait3A_318 : memref<1x128xi32, #tpu.memory_space<vmem>> -> memref<128xi32, #tpu.memory_space<vmem>>
      %dma_wait3A_320 = arith.constant 0 : i32
      %dma_wait3A_321 = arith.constant 0 : i32
      %dma_wait3A_322 = tpu.memref_slice %arg2[%dma_wait3A_320, %dma_wait3A_321] : memref<100001x64xf32, #tpu.memory_space<hbm>> -> memref<100001x64xf32, #tpu.memory_space<hbm>>
      tpu.wait_indirect_dma semaphore(%arg21 : memref<!tpu.dma_semaphore, #tpu.memory_space<semaphore_mem>>) src(%dma_wait3A_322 : memref<100001x64xf32, #tpu.memory_space<hbm>>) dst(%arg13 : memref<128x64xf32, #tpu.memory_space<vmem>>)
      %add3A_323 = arith.constant 7 : i32
      %add3A_324 = arith.addi %add3A_203, %add3A_323 : i32
      %mul3A_325 = arith.constant 128 : i32
      %mul3A_326 = arith.muli %add3A_324, %mul3A_325 : i32
      %add3A_327 = arith.addi %mul3A_4, %mul3A_326 : i32
      %dma_start3A_328 = arith.constant 0 : i32
      %dma_start3A_329 = tpu.memref_slice %arg4[%add3A_327, %dma_start3A_328] : memref<819200x128xf32, #tpu.memory_space<hbm>> -> memref<128x64xf32, #tpu.memory_space<hbm>>
      %dma_start3A_330 = arith.constant 0 : i32
      %dma_start3A_331 = tpu.memref_slice %arg4[%add3A_327, %dma_start3A_330] : memref<819200x128xf32, #tpu.memory_space<hbm>> -> memref<128x64xf32, #tpu.memory_space<hbm>>
      tpu.enqueue_dma source(%arg13 : memref<128x64xf32, #tpu.memory_space<vmem>>) target(%dma_start3A_331 : memref<128x64xf32, #tpu.memory_space<hbm>>) target_semaphore(%arg29 : memref<!tpu.dma_semaphore, #tpu.memory_space<semaphore_mem>>)
      %dma_wait3A_332 = arith.constant 0 : i32
      %dma_wait3A_333 = tpu.memref_slice %arg4[%mul3A_4, %dma_wait3A_332] : memref<819200x128xf32, #tpu.memory_space<hbm>> -> memref<128x64xf32, #tpu.memory_space<hbm>>
      %dma_wait3A_334 = arith.constant 0 : i32
      %dma_wait3A_335 = tpu.memref_slice %arg4[%mul3A_4, %dma_wait3A_334] : memref<819200x128xf32, #tpu.memory_space<hbm>> -> memref<128x64xf32, #tpu.memory_space<hbm>>
      tpu.wait_dma2 semaphore(%arg22 : memref<!tpu.dma_semaphore, #tpu.memory_space<semaphore_mem>>) src(%arg6 : memref<128x64xf32, #tpu.memory_space<vmem>>) dst(%dma_wait3A_335 : memref<128x64xf32, #tpu.memory_space<hbm>>)
      %add3A_336 = arith.constant 8 : i32
      %add3A_337 = arith.addi %add3A_203, %add3A_336 : i32
      %add3A_338 = arith.constant 0 : i32
      %add3A_339 = arith.addi %add3A_337, %add3A_338 : i32
      %dma_start3A_340 = arith.constant 0 : i32
      %dma_start3A_341 = tpu.memref_slice %arg5[%add3A_339, %dma_start3A_340] : memref<200x128xi32, #tpu.memory_space<vmem>> -> memref<1x128xi32, #tpu.memory_space<vmem>>
      %dma_start3A_342 = tpu.memref_squeeze %dma_start3A_341 : memref<1x128xi32, #tpu.memory_space<vmem>> -> memref<128xi32, #tpu.memory_space<vmem>>
      %dma_start3A_343 = arith.constant 0 : i32
      %dma_start3A_344 = arith.constant 0 : i32
      %dma_start3A_345 = tpu.memref_slice %arg2[%dma_start3A_343, %dma_start3A_344] : memref<100001x64xf32, #tpu.memory_space<hbm>> -> memref<100001x64xf32, #tpu.memory_space<hbm>>
      tpu.enqueue_indirect_dma source(%dma_start3A_345 : memref<100001x64xf32, #tpu.memory_space<hbm>>) target(%arg6 : memref<128x64xf32, #tpu.memory_space<vmem>>) offsets(%dma_start3A_342 : memref<128xi32, #tpu.memory_space<vmem>>) semaphore(%arg14 : memref<!tpu.dma_semaphore, #tpu.memory_space<semaphore_mem>>)
      %dma_wait3A_346 = arith.constant 0 : i32
      %dma_wait3A_347 = tpu.memref_slice %arg4[%mul3A_4, %dma_wait3A_346] : memref<819200x128xf32, #tpu.memory_space<hbm>> -> memref<128x64xf32, #tpu.memory_space<hbm>>
      %dma_wait3A_348 = arith.constant 0 : i32
      %dma_wait3A_349 = tpu.memref_slice %arg4[%mul3A_4, %dma_wait3A_348] : memref<819200x128xf32, #tpu.memory_space<hbm>> -> memref<128x64xf32, #tpu.memory_space<hbm>>
      tpu.wait_dma2 semaphore(%arg23 : memref<!tpu.dma_semaphore, #tpu.memory_space<semaphore_mem>>) src(%arg7 : memref<128x64xf32, #tpu.memory_space<vmem>>) dst(%dma_wait3A_349 : memref<128x64xf32, #tpu.memory_space<hbm>>)
      %add3A_350 = arith.constant 8 : i32
      %add3A_351 = arith.addi %add3A_203, %add3A_350 : i32
      %add3A_352 = arith.constant 1 : i32
      %add3A_353 = arith.addi %add3A_351, %add3A_352 : i32
      %dma_start3A_354 = arith.constant 0 : i32
      %dma_start3A_355 = tpu.memref_slice %arg5[%add3A_353, %dma_start3A_354] : memref<200x128xi32, #tpu.memory_space<vmem>> -> memref<1x128xi32, #tpu.memory_space<vmem>>
      %dma_start3A_356 = tpu.memref_squeeze %dma_start3A_355 : memref<1x128xi32, #tpu.memory_space<vmem>> -> memref<128xi32, #tpu.memory_space<vmem>>
      %dma_start3A_357 = arith.constant 0 : i32
      %dma_start3A_358 = arith.constant 0 : i32
      %dma_start3A_359 = tpu.memref_slice %arg2[%dma_start3A_357, %dma_start3A_358] : memref<100001x64xf32, #tpu.memory_space<hbm>> -> memref<100001x64xf32, #tpu.memory_space<hbm>>
      tpu.enqueue_indirect_dma source(%dma_start3A_359 : memref<100001x64xf32, #tpu.memory_space<hbm>>) target(%arg7 : memref<128x64xf32, #tpu.memory_space<vmem>>) offsets(%dma_start3A_356 : memref<128xi32, #tpu.memory_space<vmem>>) semaphore(%arg15 : memref<!tpu.dma_semaphore, #tpu.memory_space<semaphore_mem>>)
      %dma_wait3A_360 = arith.constant 0 : i32
      %dma_wait3A_361 = tpu.memref_slice %arg4[%mul3A_4, %dma_wait3A_360] : memref<819200x128xf32, #tpu.memory_space<hbm>> -> memref<128x64xf32, #tpu.memory_space<hbm>>
      %dma_wait3A_362 = arith.constant 0 : i32
      %dma_wait3A_363 = tpu.memref_slice %arg4[%mul3A_4, %dma_wait3A_362] : memref<819200x128xf32, #tpu.memory_space<hbm>> -> memref<128x64xf32, #tpu.memory_space<hbm>>
      tpu.wait_dma2 semaphore(%arg24 : memref<!tpu.dma_semaphore, #tpu.memory_space<semaphore_mem>>) src(%arg8 : memref<128x64xf32, #tpu.memory_space<vmem>>) dst(%dma_wait3A_363 : memref<128x64xf32, #tpu.memory_space<hbm>>)
      %add3A_364 = arith.constant 8 : i32
      %add3A_365 = arith.addi %add3A_203, %add3A_364 : i32
      %add3A_366 = arith.constant 2 : i32
      %add3A_367 = arith.addi %add3A_365, %add3A_366 : i32
      %dma_start3A_368 = arith.constant 0 : i32
      %dma_start3A_369 = tpu.memref_slice %arg5[%add3A_367, %dma_start3A_368] : memref<200x128xi32, #tpu.memory_space<vmem>> -> memref<1x128xi32, #tpu.memory_space<vmem>>
      %dma_start3A_370 = tpu.memref_squeeze %dma_start3A_369 : memref<1x128xi32, #tpu.memory_space<vmem>> -> memref<128xi32, #tpu.memory_space<vmem>>
      %dma_start3A_371 = arith.constant 0 : i32
      %dma_start3A_372 = arith.constant 0 : i32
      %dma_start3A_373 = tpu.memref_slice %arg2[%dma_start3A_371, %dma_start3A_372] : memref<100001x64xf32, #tpu.memory_space<hbm>> -> memref<100001x64xf32, #tpu.memory_space<hbm>>
      tpu.enqueue_indirect_dma source(%dma_start3A_373 : memref<100001x64xf32, #tpu.memory_space<hbm>>) target(%arg8 : memref<128x64xf32, #tpu.memory_space<vmem>>) offsets(%dma_start3A_370 : memref<128xi32, #tpu.memory_space<vmem>>) semaphore(%arg16 : memref<!tpu.dma_semaphore, #tpu.memory_space<semaphore_mem>>)
      %dma_wait3A_374 = arith.constant 0 : i32
      %dma_wait3A_375 = tpu.memref_slice %arg4[%mul3A_4, %dma_wait3A_374] : memref<819200x128xf32, #tpu.memory_space<hbm>> -> memref<128x64xf32, #tpu.memory_space<hbm>>
      %dma_wait3A_376 = arith.constant 0 : i32
      %dma_wait3A_377 = tpu.memref_slice %arg4[%mul3A_4, %dma_wait3A_376] : memref<819200x128xf32, #tpu.memory_space<hbm>> -> memref<128x64xf32, #tpu.memory_space<hbm>>
      tpu.wait_dma2 semaphore(%arg25 : memref<!tpu.dma_semaphore, #tpu.memory_space<semaphore_mem>>) src(%arg9 : memref<128x64xf32, #tpu.memory_space<vmem>>) dst(%dma_wait3A_377 : memref<128x64xf32, #tpu.memory_space<hbm>>)
      %add3A_378 = arith.constant 8 : i32
      %add3A_379 = arith.addi %add3A_203, %add3A_378 : i32
      %add3A_380 = arith.constant 3 : i32
      %add3A_381 = arith.addi %add3A_379, %add3A_380 : i32
      %dma_start3A_382 = arith.constant 0 : i32
      %dma_start3A_383 = tpu.memref_slice %arg5[%add3A_381, %dma_start3A_382] : memref<200x128xi32, #tpu.memory_space<vmem>> -> memref<1x128xi32, #tpu.memory_space<vmem>>
      %dma_start3A_384 = tpu.memref_squeeze %dma_start3A_383 : memref<1x128xi32, #tpu.memory_space<vmem>> -> memref<128xi32, #tpu.memory_space<vmem>>
      %dma_start3A_385 = arith.constant 0 : i32
      %dma_start3A_386 = arith.constant 0 : i32
      %dma_start3A_387 = tpu.memref_slice %arg2[%dma_start3A_385, %dma_start3A_386] : memref<100001x64xf32, #tpu.memory_space<hbm>> -> memref<100001x64xf32, #tpu.memory_space<hbm>>
      tpu.enqueue_indirect_dma source(%dma_start3A_387 : memref<100001x64xf32, #tpu.memory_space<hbm>>) target(%arg9 : memref<128x64xf32, #tpu.memory_space<vmem>>) offsets(%dma_start3A_384 : memref<128xi32, #tpu.memory_space<vmem>>) semaphore(%arg17 : memref<!tpu.dma_semaphore, #tpu.memory_space<semaphore_mem>>)
      %dma_wait3A_388 = arith.constant 0 : i32
      %dma_wait3A_389 = tpu.memref_slice %arg4[%mul3A_4, %dma_wait3A_388] : memref<819200x128xf32, #tpu.memory_space<hbm>> -> memref<128x64xf32, #tpu.memory_space<hbm>>
      %dma_wait3A_390 = arith.constant 0 : i32
      %dma_wait3A_391 = tpu.memref_slice %arg4[%mul3A_4, %dma_wait3A_390] : memref<819200x128xf32, #tpu.memory_space<hbm>> -> memref<128x64xf32, #tpu.memory_space<hbm>>
      tpu.wait_dma2 semaphore(%arg26 : memref<!tpu.dma_semaphore, #tpu.memory_space<semaphore_mem>>) src(%arg10 : memref<128x64xf32, #tpu.memory_space<vmem>>) dst(%dma_wait3A_391 : memref<128x64xf32, #tpu.memory_space<hbm>>)
      %add3A_392 = arith.constant 8 : i32
      %add3A_393 = arith.addi %add3A_203, %add3A_392 : i32
      %add3A_394 = arith.constant 4 : i32
      %add3A_395 = arith.addi %add3A_393, %add3A_394 : i32
      %dma_start3A_396 = arith.constant 0 : i32
      %dma_start3A_397 = tpu.memref_slice %arg5[%add3A_395, %dma_start3A_396] : memref<200x128xi32, #tpu.memory_space<vmem>> -> memref<1x128xi32, #tpu.memory_space<vmem>>
      %dma_start3A_398 = tpu.memref_squeeze %dma_start3A_397 : memref<1x128xi32, #tpu.memory_space<vmem>> -> memref<128xi32, #tpu.memory_space<vmem>>
      %dma_start3A_399 = arith.constant 0 : i32
      %dma_start3A_400 = arith.constant 0 : i32
      %dma_start3A_401 = tpu.memref_slice %arg2[%dma_start3A_399, %dma_start3A_400] : memref<100001x64xf32, #tpu.memory_space<hbm>> -> memref<100001x64xf32, #tpu.memory_space<hbm>>
      tpu.enqueue_indirect_dma source(%dma_start3A_401 : memref<100001x64xf32, #tpu.memory_space<hbm>>) target(%arg10 : memref<128x64xf32, #tpu.memory_space<vmem>>) offsets(%dma_start3A_398 : memref<128xi32, #tpu.memory_space<vmem>>) semaphore(%arg18 : memref<!tpu.dma_semaphore, #tpu.memory_space<semaphore_mem>>)
      %dma_wait3A_402 = arith.constant 0 : i32
      %dma_wait3A_403 = tpu.memref_slice %arg4[%mul3A_4, %dma_wait3A_402] : memref<819200x128xf32, #tpu.memory_space<hbm>> -> memref<128x64xf32, #tpu.memory_space<hbm>>
      %dma_wait3A_404 = arith.constant 0 : i32
      %dma_wait3A_405 = tpu.memref_slice %arg4[%mul3A_4, %dma_wait3A_404] : memref<819200x128xf32, #tpu.memory_space<hbm>> -> memref<128x64xf32, #tpu.memory_space<hbm>>
      tpu.wait_dma2 semaphore(%arg27 : memref<!tpu.dma_semaphore, #tpu.memory_space<semaphore_mem>>) src(%arg11 : memref<128x64xf32, #tpu.memory_space<vmem>>) dst(%dma_wait3A_405 : memref<128x64xf32, #tpu.memory_space<hbm>>)
      %add3A_406 = arith.constant 8 : i32
      %add3A_407 = arith.addi %add3A_203, %add3A_406 : i32
      %add3A_408 = arith.constant 5 : i32
      %add3A_409 = arith.addi %add3A_407, %add3A_408 : i32
      %dma_start3A_410 = arith.constant 0 : i32
      %dma_start3A_411 = tpu.memref_slice %arg5[%add3A_409, %dma_start3A_410] : memref<200x128xi32, #tpu.memory_space<vmem>> -> memref<1x128xi32, #tpu.memory_space<vmem>>
      %dma_start3A_412 = tpu.memref_squeeze %dma_start3A_411 : memref<1x128xi32, #tpu.memory_space<vmem>> -> memref<128xi32, #tpu.memory_space<vmem>>
      %dma_start3A_413 = arith.constant 0 : i32
      %dma_start3A_414 = arith.constant 0 : i32
      %dma_start3A_415 = tpu.memref_slice %arg2[%dma_start3A_413, %dma_start3A_414] : memref<100001x64xf32, #tpu.memory_space<hbm>> -> memref<100001x64xf32, #tpu.memory_space<hbm>>
      tpu.enqueue_indirect_dma source(%dma_start3A_415 : memref<100001x64xf32, #tpu.memory_space<hbm>>) target(%arg11 : memref<128x64xf32, #tpu.memory_space<vmem>>) offsets(%dma_start3A_412 : memref<128xi32, #tpu.memory_space<vmem>>) semaphore(%arg19 : memref<!tpu.dma_semaphore, #tpu.memory_space<semaphore_mem>>)
      %dma_wait3A_416 = arith.constant 0 : i32
      %dma_wait3A_417 = tpu.memref_slice %arg4[%mul3A_4, %dma_wait3A_416] : memref<819200x128xf32, #tpu.memory_space<hbm>> -> memref<128x64xf32, #tpu.memory_space<hbm>>
      %dma_wait3A_418 = arith.constant 0 : i32
      %dma_wait3A_419 = tpu.memref_slice %arg4[%mul3A_4, %dma_wait3A_418] : memref<819200x128xf32, #tpu.memory_space<hbm>> -> memref<128x64xf32, #tpu.memory_space<hbm>>
      tpu.wait_dma2 semaphore(%arg28 : memref<!tpu.dma_semaphore, #tpu.memory_space<semaphore_mem>>) src(%arg12 : memref<128x64xf32, #tpu.memory_space<vmem>>) dst(%dma_wait3A_419 : memref<128x64xf32, #tpu.memory_space<hbm>>)
      %add3A_420 = arith.constant 8 : i32
      %add3A_421 = arith.addi %add3A_203, %add3A_420 : i32
      %add3A_422 = arith.constant 6 : i32
      %add3A_423 = arith.addi %add3A_421, %add3A_422 : i32
      %dma_start3A_424 = arith.constant 0 : i32
      %dma_start3A_425 = tpu.memref_slice %arg5[%add3A_423, %dma_start3A_424] : memref<200x128xi32, #tpu.memory_space<vmem>> -> memref<1x128xi32, #tpu.memory_space<vmem>>
      %dma_start3A_426 = tpu.memref_squeeze %dma_start3A_425 : memref<1x128xi32, #tpu.memory_space<vmem>> -> memref<128xi32, #tpu.memory_space<vmem>>
      %dma_start3A_427 = arith.constant 0 : i32
      %dma_start3A_428 = arith.constant 0 : i32
      %dma_start3A_429 = tpu.memref_slice %arg2[%dma_start3A_427, %dma_start3A_428] : memref<100001x64xf32, #tpu.memory_space<hbm>> -> memref<100001x64xf32, #tpu.memory_space<hbm>>
      tpu.enqueue_indirect_dma source(%dma_start3A_429 : memref<100001x64xf32, #tpu.memory_space<hbm>>) target(%arg12 : memref<128x64xf32, #tpu.memory_space<vmem>>) offsets(%dma_start3A_426 : memref<128xi32, #tpu.memory_space<vmem>>) semaphore(%arg20 : memref<!tpu.dma_semaphore, #tpu.memory_space<semaphore_mem>>)
      %dma_wait3A_430 = arith.constant 0 : i32
      %dma_wait3A_431 = tpu.memref_slice %arg4[%mul3A_4, %dma_wait3A_430] : memref<819200x128xf32, #tpu.memory_space<hbm>> -> memref<128x64xf32, #tpu.memory_space<hbm>>
      %dma_wait3A_432 = arith.constant 0 : i32
      %dma_wait3A_433 = tpu.memref_slice %arg4[%mul3A_4, %dma_wait3A_432] : memref<819200x128xf32, #tpu.memory_space<hbm>> -> memref<128x64xf32, #tpu.memory_space<hbm>>
      tpu.wait_dma2 semaphore(%arg29 : memref<!tpu.dma_semaphore, #tpu.memory_space<semaphore_mem>>) src(%arg13 : memref<128x64xf32, #tpu.memory_space<vmem>>) dst(%dma_wait3A_433 : memref<128x64xf32, #tpu.memory_space<hbm>>)
      %add3A_434 = arith.constant 8 : i32
      %add3A_435 = arith.addi %add3A_203, %add3A_434 : i32
      %add3A_436 = arith.constant 7 : i32
      %add3A_437 = arith.addi %add3A_435, %add3A_436 : i32
      %dma_start3A_438 = arith.constant 0 : i32
      %dma_start3A_439 = tpu.memref_slice %arg5[%add3A_437, %dma_start3A_438] : memref<200x128xi32, #tpu.memory_space<vmem>> -> memref<1x128xi32, #tpu.memory_space<vmem>>
      %dma_start3A_440 = tpu.memref_squeeze %dma_start3A_439 : memref<1x128xi32, #tpu.memory_space<vmem>> -> memref<128xi32, #tpu.memory_space<vmem>>
      %dma_start3A_441 = arith.constant 0 : i32
      %dma_start3A_442 = arith.constant 0 : i32
      %dma_start3A_443 = tpu.memref_slice %arg2[%dma_start3A_441, %dma_start3A_442] : memref<100001x64xf32, #tpu.memory_space<hbm>> -> memref<100001x64xf32, #tpu.memory_space<hbm>>
      tpu.enqueue_indirect_dma source(%dma_start3A_443 : memref<100001x64xf32, #tpu.memory_space<hbm>>) target(%arg13 : memref<128x64xf32, #tpu.memory_space<vmem>>) offsets(%dma_start3A_440 : memref<128xi32, #tpu.memory_space<vmem>>) semaphore(%arg21 : memref<!tpu.dma_semaphore, #tpu.memory_space<semaphore_mem>>)
    }
    %scan3A_63 = arith.constant 24 : i32
    %dma_wait3A = arith.constant 0 : i32
    %dma_wait3A_64 = arith.constant 0 : i32
    %dma_wait3A_65 = tpu.memref_slice %arg5[%dma_wait3A, %dma_wait3A_64] : memref<200x128xi32, #tpu.memory_space<vmem>> -> memref<1x128xi32, #tpu.memory_space<vmem>>
    %dma_wait3A_66 = tpu.memref_squeeze %dma_wait3A_65 : memref<1x128xi32, #tpu.memory_space<vmem>> -> memref<128xi32, #tpu.memory_space<vmem>>
    %dma_wait3A_67 = arith.constant 0 : i32
    %dma_wait3A_68 = arith.constant 0 : i32
    %dma_wait3A_69 = tpu.memref_slice %arg2[%dma_wait3A_67, %dma_wait3A_68] : memref<100001x64xf32, #tpu.memory_space<hbm>> -> memref<100001x64xf32, #tpu.memory_space<hbm>>
    tpu.wait_indirect_dma semaphore(%arg14 : memref<!tpu.dma_semaphore, #tpu.memory_space<semaphore_mem>>) src(%dma_wait3A_69 : memref<100001x64xf32, #tpu.memory_space<hbm>>) dst(%arg6 : memref<128x64xf32, #tpu.memory_space<vmem>>)
    %add3A_70 = arith.constant 24576 : i32
    %add3A_71 = arith.addi %mul3A_4, %add3A_70 : i32
    %dma_start3A_72 = arith.constant 0 : i32
    %dma_start3A_73 = tpu.memref_slice %arg4[%add3A_71, %dma_start3A_72] : memref<819200x128xf32, #tpu.memory_space<hbm>> -> memref<128x64xf32, #tpu.memory_space<hbm>>
    %dma_start3A_74 = arith.constant 0 : i32
    %dma_start3A_75 = tpu.memref_slice %arg4[%add3A_71, %dma_start3A_74] : memref<819200x128xf32, #tpu.memory_space<hbm>> -> memref<128x64xf32, #tpu.memory_space<hbm>>
    tpu.enqueue_dma source(%arg6 : memref<128x64xf32, #tpu.memory_space<vmem>>) target(%dma_start3A_75 : memref<128x64xf32, #tpu.memory_space<hbm>>) target_semaphore(%arg22 : memref<!tpu.dma_semaphore, #tpu.memory_space<semaphore_mem>>)
    %dma_wait3A_76 = arith.constant 0 : i32
    %dma_wait3A_77 = arith.constant 0 : i32
    %dma_wait3A_78 = tpu.memref_slice %arg5[%dma_wait3A_76, %dma_wait3A_77] : memref<200x128xi32, #tpu.memory_space<vmem>> -> memref<1x128xi32, #tpu.memory_space<vmem>>
    %dma_wait3A_79 = tpu.memref_squeeze %dma_wait3A_78 : memref<1x128xi32, #tpu.memory_space<vmem>> -> memref<128xi32, #tpu.memory_space<vmem>>
    %dma_wait3A_80 = arith.constant 0 : i32
    %dma_wait3A_81 = arith.constant 0 : i32
    %dma_wait3A_82 = tpu.memref_slice %arg2[%dma_wait3A_80, %dma_wait3A_81] : memref<100001x64xf32, #tpu.memory_space<hbm>> -> memref<100001x64xf32, #tpu.memory_space<hbm>>
    tpu.wait_indirect_dma semaphore(%arg15 : memref<!tpu.dma_semaphore, #tpu.memory_space<semaphore_mem>>) src(%dma_wait3A_82 : memref<100001x64xf32, #tpu.memory_space<hbm>>) dst(%arg7 : memref<128x64xf32, #tpu.memory_space<vmem>>)
    %add3A_83 = arith.constant 24704 : i32
    %add3A_84 = arith.addi %mul3A_4, %add3A_83 : i32
    %dma_start3A_85 = arith.constant 0 : i32
    %dma_start3A_86 = tpu.memref_slice %arg4[%add3A_84, %dma_start3A_85] : memref<819200x128xf32, #tpu.memory_space<hbm>> -> memref<128x64xf32, #tpu.memory_space<hbm>>
    %dma_start3A_87 = arith.constant 0 : i32
    %dma_start3A_88 = tpu.memref_slice %arg4[%add3A_84, %dma_start3A_87] : memref<819200x128xf32, #tpu.memory_space<hbm>> -> memref<128x64xf32, #tpu.memory_space<hbm>>
    tpu.enqueue_dma source(%arg7 : memref<128x64xf32, #tpu.memory_space<vmem>>) target(%dma_start3A_88 : memref<128x64xf32, #tpu.memory_space<hbm>>) target_semaphore(%arg23 : memref<!tpu.dma_semaphore, #tpu.memory_space<semaphore_mem>>)
    %dma_wait3A_89 = arith.constant 0 : i32
    %dma_wait3A_90 = arith.constant 0 : i32
    %dma_wait3A_91 = tpu.memref_slice %arg5[%dma_wait3A_89, %dma_wait3A_90] : memref<200x128xi32, #tpu.memory_space<vmem>> -> memref<1x128xi32, #tpu.memory_space<vmem>>
    %dma_wait3A_92 = tpu.memref_squeeze %dma_wait3A_91 : memref<1x128xi32, #tpu.memory_space<vmem>> -> memref<128xi32, #tpu.memory_space<vmem>>
    %dma_wait3A_93 = arith.constant 0 : i32
    %dma_wait3A_94 = arith.constant 0 : i32
    %dma_wait3A_95 = tpu.memref_slice %arg2[%dma_wait3A_93, %dma_wait3A_94] : memref<100001x64xf32, #tpu.memory_space<hbm>> -> memref<100001x64xf32, #tpu.memory_space<hbm>>
    tpu.wait_indirect_dma semaphore(%arg16 : memref<!tpu.dma_semaphore, #tpu.memory_space<semaphore_mem>>) src(%dma_wait3A_95 : memref<100001x64xf32, #tpu.memory_space<hbm>>) dst(%arg8 : memref<128x64xf32, #tpu.memory_space<vmem>>)
    %add3A_96 = arith.constant 24832 : i32
    %add3A_97 = arith.addi %mul3A_4, %add3A_96 : i32
    %dma_start3A_98 = arith.constant 0 : i32
    %dma_start3A_99 = tpu.memref_slice %arg4[%add3A_97, %dma_start3A_98] : memref<819200x128xf32, #tpu.memory_space<hbm>> -> memref<128x64xf32, #tpu.memory_space<hbm>>
    %dma_start3A_100 = arith.constant 0 : i32
    %dma_start3A_101 = tpu.memref_slice %arg4[%add3A_97, %dma_start3A_100] : memref<819200x128xf32, #tpu.memory_space<hbm>> -> memref<128x64xf32, #tpu.memory_space<hbm>>
    tpu.enqueue_dma source(%arg8 : memref<128x64xf32, #tpu.memory_space<vmem>>) target(%dma_start3A_101 : memref<128x64xf32, #tpu.memory_space<hbm>>) target_semaphore(%arg24 : memref<!tpu.dma_semaphore, #tpu.memory_space<semaphore_mem>>)
    %dma_wait3A_102 = arith.constant 0 : i32
    %dma_wait3A_103 = arith.constant 0 : i32
    %dma_wait3A_104 = tpu.memref_slice %arg5[%dma_wait3A_102, %dma_wait3A_103] : memref<200x128xi32, #tpu.memory_space<vmem>> -> memref<1x128xi32, #tpu.memory_space<vmem>>
    %dma_wait3A_105 = tpu.memref_squeeze %dma_wait3A_104 : memref<1x128xi32, #tpu.memory_space<vmem>> -> memref<128xi32, #tpu.memory_space<vmem>>
    %dma_wait3A_106 = arith.constant 0 : i32
    %dma_wait3A_107 = arith.constant 0 : i32
    %dma_wait3A_108 = tpu.memref_slice %arg2[%dma_wait3A_106, %dma_wait3A_107] : memref<100001x64xf32, #tpu.memory_space<hbm>> -> memref<100001x64xf32, #tpu.memory_space<hbm>>
    tpu.wait_indirect_dma semaphore(%arg17 : memref<!tpu.dma_semaphore, #tpu.memory_space<semaphore_mem>>) src(%dma_wait3A_108 : memref<100001x64xf32, #tpu.memory_space<hbm>>) dst(%arg9 : memref<128x64xf32, #tpu.memory_space<vmem>>)
    %add3A_109 = arith.constant 24960 : i32
    %add3A_110 = arith.addi %mul3A_4, %add3A_109 : i32
    %dma_start3A_111 = arith.constant 0 : i32
    %dma_start3A_112 = tpu.memref_slice %arg4[%add3A_110, %dma_start3A_111] : memref<819200x128xf32, #tpu.memory_space<hbm>> -> memref<128x64xf32, #tpu.memory_space<hbm>>
    %dma_start3A_113 = arith.constant 0 : i32
    %dma_start3A_114 = tpu.memref_slice %arg4[%add3A_110, %dma_start3A_113] : memref<819200x128xf32, #tpu.memory_space<hbm>> -> memref<128x64xf32, #tpu.memory_space<hbm>>
    tpu.enqueue_dma source(%arg9 : memref<128x64xf32, #tpu.memory_space<vmem>>) target(%dma_start3A_114 : memref<128x64xf32, #tpu.memory_space<hbm>>) target_semaphore(%arg25 : memref<!tpu.dma_semaphore, #tpu.memory_space<semaphore_mem>>)
    %dma_wait3A_115 = arith.constant 0 : i32
    %dma_wait3A_116 = arith.constant 0 : i32
    %dma_wait3A_117 = tpu.memref_slice %arg5[%dma_wait3A_115, %dma_wait3A_116] : memref<200x128xi32, #tpu.memory_space<vmem>> -> memref<1x128xi32, #tpu.memory_space<vmem>>
    %dma_wait3A_118 = tpu.memref_squeeze %dma_wait3A_117 : memref<1x128xi32, #tpu.memory_space<vmem>> -> memref<128xi32, #tpu.memory_space<vmem>>
    %dma_wait3A_119 = arith.constant 0 : i32
    %dma_wait3A_120 = arith.constant 0 : i32
    %dma_wait3A_121 = tpu.memref_slice %arg2[%dma_wait3A_119, %dma_wait3A_120] : memref<100001x64xf32, #tpu.memory_space<hbm>> -> memref<100001x64xf32, #tpu.memory_space<hbm>>
    tpu.wait_indirect_dma semaphore(%arg18 : memref<!tpu.dma_semaphore, #tpu.memory_space<semaphore_mem>>) src(%dma_wait3A_121 : memref<100001x64xf32, #tpu.memory_space<hbm>>) dst(%arg10 : memref<128x64xf32, #tpu.memory_space<vmem>>)
    %add3A_122 = arith.constant 25088 : i32
    %add3A_123 = arith.addi %mul3A_4, %add3A_122 : i32
    %dma_start3A_124 = arith.constant 0 : i32
    %dma_start3A_125 = tpu.memref_slice %arg4[%add3A_123, %dma_start3A_124] : memref<819200x128xf32, #tpu.memory_space<hbm>> -> memref<128x64xf32, #tpu.memory_space<hbm>>
    %dma_start3A_126 = arith.constant 0 : i32
    %dma_start3A_127 = tpu.memref_slice %arg4[%add3A_123, %dma_start3A_126] : memref<819200x128xf32, #tpu.memory_space<hbm>> -> memref<128x64xf32, #tpu.memory_space<hbm>>
    tpu.enqueue_dma source(%arg10 : memref<128x64xf32, #tpu.memory_space<vmem>>) target(%dma_start3A_127 : memref<128x64xf32, #tpu.memory_space<hbm>>) target_semaphore(%arg26 : memref<!tpu.dma_semaphore, #tpu.memory_space<semaphore_mem>>)
    %dma_wait3A_128 = arith.constant 0 : i32
    %dma_wait3A_129 = arith.constant 0 : i32
    %dma_wait3A_130 = tpu.memref_slice %arg5[%dma_wait3A_128, %dma_wait3A_129] : memref<200x128xi32, #tpu.memory_space<vmem>> -> memref<1x128xi32, #tpu.memory_space<vmem>>
    %dma_wait3A_131 = tpu.memref_squeeze %dma_wait3A_130 : memref<1x128xi32, #tpu.memory_space<vmem>> -> memref<128xi32, #tpu.memory_space<vmem>>
    %dma_wait3A_132 = arith.constant 0 : i32
    %dma_wait3A_133 = arith.constant 0 : i32
    %dma_wait3A_134 = tpu.memref_slice %arg2[%dma_wait3A_132, %dma_wait3A_133] : memref<100001x64xf32, #tpu.memory_space<hbm>> -> memref<100001x64xf32, #tpu.memory_space<hbm>>
    tpu.wait_indirect_dma semaphore(%arg19 : memref<!tpu.dma_semaphore, #tpu.memory_space<semaphore_mem>>) src(%dma_wait3A_134 : memref<100001x64xf32, #tpu.memory_space<hbm>>) dst(%arg11 : memref<128x64xf32, #tpu.memory_space<vmem>>)
    %add3A_135 = arith.constant 25216 : i32
    %add3A_136 = arith.addi %mul3A_4, %add3A_135 : i32
    %dma_start3A_137 = arith.constant 0 : i32
    %dma_start3A_138 = tpu.memref_slice %arg4[%add3A_136, %dma_start3A_137] : memref<819200x128xf32, #tpu.memory_space<hbm>> -> memref<128x64xf32, #tpu.memory_space<hbm>>
    %dma_start3A_139 = arith.constant 0 : i32
    %dma_start3A_140 = tpu.memref_slice %arg4[%add3A_136, %dma_start3A_139] : memref<819200x128xf32, #tpu.memory_space<hbm>> -> memref<128x64xf32, #tpu.memory_space<hbm>>
    tpu.enqueue_dma source(%arg11 : memref<128x64xf32, #tpu.memory_space<vmem>>) target(%dma_start3A_140 : memref<128x64xf32, #tpu.memory_space<hbm>>) target_semaphore(%arg27 : memref<!tpu.dma_semaphore, #tpu.memory_space<semaphore_mem>>)
    %dma_wait3A_141 = arith.constant 0 : i32
    %dma_wait3A_142 = arith.constant 0 : i32
    %dma_wait3A_143 = tpu.memref_slice %arg5[%dma_wait3A_141, %dma_wait3A_142] : memref<200x128xi32, #tpu.memory_space<vmem>> -> memref<1x128xi32, #tpu.memory_space<vmem>>
    %dma_wait3A_144 = tpu.memref_squeeze %dma_wait3A_143 : memref<1x128xi32, #tpu.memory_space<vmem>> -> memref<128xi32, #tpu.memory_space<vmem>>
    %dma_wait3A_145 = arith.constant 0 : i32
    %dma_wait3A_146 = arith.constant 0 : i32
    %dma_wait3A_147 = tpu.memref_slice %arg2[%dma_wait3A_145, %dma_wait3A_146] : memref<100001x64xf32, #tpu.memory_space<hbm>> -> memref<100001x64xf32, #tpu.memory_space<hbm>>
    tpu.wait_indirect_dma semaphore(%arg20 : memref<!tpu.dma_semaphore, #tpu.memory_space<semaphore_mem>>) src(%dma_wait3A_147 : memref<100001x64xf32, #tpu.memory_space<hbm>>) dst(%arg12 : memref<128x64xf32, #tpu.memory_space<vmem>>)
    %add3A_148 = arith.constant 25344 : i32
    %add3A_149 = arith.addi %mul3A_4, %add3A_148 : i32
    %dma_start3A_150 = arith.constant 0 : i32
    %dma_start3A_151 = tpu.memref_slice %arg4[%add3A_149, %dma_start3A_150] : memref<819200x128xf32, #tpu.memory_space<hbm>> -> memref<128x64xf32, #tpu.memory_space<hbm>>
    %dma_start3A_152 = arith.constant 0 : i32
    %dma_start3A_153 = tpu.memref_slice %arg4[%add3A_149, %dma_start3A_152] : memref<819200x128xf32, #tpu.memory_space<hbm>> -> memref<128x64xf32, #tpu.memory_space<hbm>>
    tpu.enqueue_dma source(%arg12 : memref<128x64xf32, #tpu.memory_space<vmem>>) target(%dma_start3A_153 : memref<128x64xf32, #tpu.memory_space<hbm>>) target_semaphore(%arg28 : memref<!tpu.dma_semaphore, #tpu.memory_space<semaphore_mem>>)
    %dma_wait3A_154 = arith.constant 0 : i32
    %dma_wait3A_155 = arith.constant 0 : i32
    %dma_wait3A_156 = tpu.memref_slice %arg5[%dma_wait3A_154, %dma_wait3A_155] : memref<200x128xi32, #tpu.memory_space<vmem>> -> memref<1x128xi32, #tpu.memory_space<vmem>>
    %dma_wait3A_157 = tpu.memref_squeeze %dma_wait3A_156 : memref<1x128xi32, #tpu.memory_space<vmem>> -> memref<128xi32, #tpu.memory_space<vmem>>
    %dma_wait3A_158 = arith.constant 0 : i32
    %dma_wait3A_159 = arith.constant 0 : i32
    %dma_wait3A_160 = tpu.memref_slice %arg2[%dma_wait3A_158, %dma_wait3A_159] : memref<100001x64xf32, #tpu.memory_space<hbm>> -> memref<100001x64xf32, #tpu.memory_space<hbm>>
    tpu.wait_indirect_dma semaphore(%arg21 : memref<!tpu.dma_semaphore, #tpu.memory_space<semaphore_mem>>) src(%dma_wait3A_160 : memref<100001x64xf32, #tpu.memory_space<hbm>>) dst(%arg13 : memref<128x64xf32, #tpu.memory_space<vmem>>)
    %add3A_161 = arith.constant 25472 : i32
    %add3A_162 = arith.addi %mul3A_4, %add3A_161 : i32
    %dma_start3A_163 = arith.constant 0 : i32
    %dma_start3A_164 = tpu.memref_slice %arg4[%add3A_162, %dma_start3A_163] : memref<819200x128xf32, #tpu.memory_space<hbm>> -> memref<128x64xf32, #tpu.memory_space<hbm>>
    %dma_start3A_165 = arith.constant 0 : i32
    %dma_start3A_166 = tpu.memref_slice %arg4[%add3A_162, %dma_start3A_165] : memref<819200x128xf32, #tpu.memory_space<hbm>> -> memref<128x64xf32, #tpu.memory_space<hbm>>
    tpu.enqueue_dma source(%arg13 : memref<128x64xf32, #tpu.memory_space<vmem>>) target(%dma_start3A_166 : memref<128x64xf32, #tpu.memory_space<hbm>>) target_semaphore(%arg29 : memref<!tpu.dma_semaphore, #tpu.memory_space<semaphore_mem>>)
    %dma_wait3A_167 = arith.constant 0 : i32
    %dma_wait3A_168 = tpu.memref_slice %arg4[%mul3A_4, %dma_wait3A_167] : memref<819200x128xf32, #tpu.memory_space<hbm>> -> memref<128x64xf32, #tpu.memory_space<hbm>>
    %dma_wait3A_169 = arith.constant 0 : i32
    %dma_wait3A_170 = tpu.memref_slice %arg4[%mul3A_4, %dma_wait3A_169] : memref<819200x128xf32, #tpu.memory_space<hbm>> -> memref<128x64xf32, #tpu.memory_space<hbm>>
    tpu.wait_dma2 semaphore(%arg22 : memref<!tpu.dma_semaphore, #tpu.memory_space<semaphore_mem>>) src(%arg6 : memref<128x64xf32, #tpu.memory_space<vmem>>) dst(%dma_wait3A_170 : memref<128x64xf32, #tpu.memory_space<hbm>>)
    %dma_wait3A_171 = arith.constant 0 : i32
    %dma_wait3A_172 = tpu.memref_slice %arg4[%mul3A_4, %dma_wait3A_171] : memref<819200x128xf32, #tpu.memory_space<hbm>> -> memref<128x64xf32, #tpu.memory_space<hbm>>
    %dma_wait3A_173 = arith.constant 0 : i32
    %dma_wait3A_174 = tpu.memref_slice %arg4[%mul3A_4, %dma_wait3A_173] : memref<819200x128xf32, #tpu.memory_space<hbm>> -> memref<128x64xf32, #tpu.memory_space<hbm>>
    tpu.wait_dma2 semaphore(%arg23 : memref<!tpu.dma_semaphore, #tpu.memory_space<semaphore_mem>>) src(%arg7 : memref<128x64xf32, #tpu.memory_space<vmem>>) dst(%dma_wait3A_174 : memref<128x64xf32, #tpu.memory_space<hbm>>)
    %dma_wait3A_175 = arith.constant 0 : i32
    %dma_wait3A_176 = tpu.memref_slice %arg4[%mul3A_4, %dma_wait3A_175] : memref<819200x128xf32, #tpu.memory_space<hbm>> -> memref<128x64xf32, #tpu.memory_space<hbm>>
    %dma_wait3A_177 = arith.constant 0 : i32
    %dma_wait3A_178 = tpu.memref_slice %arg4[%mul3A_4, %dma_wait3A_177] : memref<819200x128xf32, #tpu.memory_space<hbm>> -> memref<128x64xf32, #tpu.memory_space<hbm>>
    tpu.wait_dma2 semaphore(%arg24 : memref<!tpu.dma_semaphore, #tpu.memory_space<semaphore_mem>>) src(%arg8 : memref<128x64xf32, #tpu.memory_space<vmem>>) dst(%dma_wait3A_178 : memref<128x64xf32, #tpu.memory_space<hbm>>)
    %dma_wait3A_179 = arith.constant 0 : i32
    %dma_wait3A_180 = tpu.memref_slice %arg4[%mul3A_4, %dma_wait3A_179] : memref<819200x128xf32, #tpu.memory_space<hbm>> -> memref<128x64xf32, #tpu.memory_space<hbm>>
    %dma_wait3A_181 = arith.constant 0 : i32
    %dma_wait3A_182 = tpu.memref_slice %arg4[%mul3A_4, %dma_wait3A_181] : memref<819200x128xf32, #tpu.memory_space<hbm>> -> memref<128x64xf32, #tpu.memory_space<hbm>>
    tpu.wait_dma2 semaphore(%arg25 : memref<!tpu.dma_semaphore, #tpu.memory_space<semaphore_mem>>) src(%arg9 : memref<128x64xf32, #tpu.memory_space<vmem>>) dst(%dma_wait3A_182 : memref<128x64xf32, #tpu.memory_space<hbm>>)
    %dma_wait3A_183 = arith.constant 0 : i32
    %dma_wait3A_184 = tpu.memref_slice %arg4[%mul3A_4, %dma_wait3A_183] : memref<819200x128xf32, #tpu.memory_space<hbm>> -> memref<128x64xf32, #tpu.memory_space<hbm>>
    %dma_wait3A_185 = arith.constant 0 : i32
    %dma_wait3A_186 = tpu.memref_slice %arg4[%mul3A_4, %dma_wait3A_185] : memref<819200x128xf32, #tpu.memory_space<hbm>> -> memref<128x64xf32, #tpu.memory_space<hbm>>
    tpu.wait_dma2 semaphore(%arg26 : memref<!tpu.dma_semaphore, #tpu.memory_space<semaphore_mem>>) src(%arg10 : memref<128x64xf32, #tpu.memory_space<vmem>>) dst(%dma_wait3A_186 : memref<128x64xf32, #tpu.memory_space<hbm>>)
    %dma_wait3A_187 = arith.constant 0 : i32
    %dma_wait3A_188 = tpu.memref_slice %arg4[%mul3A_4, %dma_wait3A_187] : memref<819200x128xf32, #tpu.memory_space<hbm>> -> memref<128x64xf32, #tpu.memory_space<hbm>>
    %dma_wait3A_189 = arith.constant 0 : i32
    %dma_wait3A_190 = tpu.memref_slice %arg4[%mul3A_4, %dma_wait3A_189] : memref<819200x128xf32, #tpu.memory_space<hbm>> -> memref<128x64xf32, #tpu.memory_space<hbm>>
    tpu.wait_dma2 semaphore(%arg27 : memref<!tpu.dma_semaphore, #tpu.memory_space<semaphore_mem>>) src(%arg11 : memref<128x64xf32, #tpu.memory_space<vmem>>) dst(%dma_wait3A_190 : memref<128x64xf32, #tpu.memory_space<hbm>>)
    %dma_wait3A_191 = arith.constant 0 : i32
    %dma_wait3A_192 = tpu.memref_slice %arg4[%mul3A_4, %dma_wait3A_191] : memref<819200x128xf32, #tpu.memory_space<hbm>> -> memref<128x64xf32, #tpu.memory_space<hbm>>
    %dma_wait3A_193 = arith.constant 0 : i32
    %dma_wait3A_194 = tpu.memref_slice %arg4[%mul3A_4, %dma_wait3A_193] : memref<819200x128xf32, #tpu.memory_space<hbm>> -> memref<128x64xf32, #tpu.memory_space<hbm>>
    tpu.wait_dma2 semaphore(%arg28 : memref<!tpu.dma_semaphore, #tpu.memory_space<semaphore_mem>>) src(%arg12 : memref<128x64xf32, #tpu.memory_space<vmem>>) dst(%dma_wait3A_194 : memref<128x64xf32, #tpu.memory_space<hbm>>)
    %dma_wait3A_195 = arith.constant 0 : i32
    %dma_wait3A_196 = tpu.memref_slice %arg4[%mul3A_4, %dma_wait3A_195] : memref<819200x128xf32, #tpu.memory_space<hbm>> -> memref<128x64xf32, #tpu.memory_space<hbm>>
    %dma_wait3A_197 = arith.constant 0 : i32
    %dma_wait3A_198 = tpu.memref_slice %arg4[%mul3A_4, %dma_wait3A_197] : memref<819200x128xf32, #tpu.memory_space<hbm>> -> memref<128x64xf32, #tpu.memory_space<hbm>>
    tpu.wait_dma2 semaphore(%arg29 : memref<!tpu.dma_semaphore, #tpu.memory_space<semaphore_mem>>) src(%arg13 : memref<128x64xf32, #tpu.memory_space<vmem>>) dst(%dma_wait3A_198 : memref<128x64xf32, #tpu.memory_space<hbm>>)
    return
  }
}

</mosaic_0001>

<sc_bundles>
// kernel: kernel.3.cloned.1.call-start
scs
__scs_entry_jumppad:
0x0: {  	(pc) =	sbr.rel $0x88, $3  }
0x1: {  	(tag) =	ssettag $0x0;
	lr =	simm.s32 $0x1  }
0x2: {  	[smem:$0x3F9F] =	sst lr;
	_ =	strace $0xD0000000  }
0x3: {  	_ = 	snop  }
0x4: {  	_ = 	snop  }
0x5: {  	_ = 	snop  }
0x6: {  	_ = 	snop  }
0x7: {  	_ = 	snop  }
__scs_overlays_trampoline_lowered:
0x8: {  	[smem:$0x3FAE] =	sst s0  }
0x9: {  	[smem:$0x3FAF] =	sst s1  }
0xa: {  	[smem:$0x3FB0] =	sst s2  }
0xb: {  	[smem:$0x3FB1] =	sst s3  }
0xc: {  	[smem:$0x3FB2] =	sst s4  }
0xd: {  	[smem:$0x3FB3] =	sst s5  }
0xe: {  	[smem:$0x3FB4] =	sst s6  }
0xf: {  	[smem:$0x3FB5] =	sst s7  }
0x10: {  	[smem:$0x3FB6] =	sst s8  }
0x11: {  	[smem:$0x3FB7] =	sst s9;
	s0 =	simm.s32 @!p0 $0x0  }
0x12: {  	s1 =	sld [smem:$0x3F9D];
	s0 =	simm.s32 @p0 $0x1  }
0x13: {  	[smem:$0x3FB8] =	sst s0;
	s0 =	simm.s32 @!p1 $0x0  }
0x14: {  	s2 =	sld [smem:$0x3F9C];
	s0 =	simm.s32 @p1 $0x1  }
0x15: {  	[smem:$0x3FB9] =	sst s0;
	s0 =	simm.s32 @!p2 $0x0  }
0x16: {  	s3 =	sld [smem:$0x3FDB];
	s0 =	simm.s32 @p2 $0x1  }
0x17: {  	s4 =	simm.s32 $0x1BF5;
	[smem:$0x3FBB] =	sst s0  }
0x18: {  	s0 =	sld [smem:$0x3F9E];
	_ =	swait.ge [sflag:s4], $0x0  }
0x19: {  	s7 =	sld [smem:$0x3F9F]  }
0x1a: {  	s8 =	sadd.s32 $0xFFFFE003, lr  }
0x1b: {  	s9 =	sadd.s32 $0xFFFFFEF7, lr;
	s5 =	simm.s32 $0xFFFFFFFF;
	p2 =	slt.u32 s8, $0xFFFFF086  }
0x1c: {  	p1 =	slt.u32 s9, $0xF7A;
	s5 =	simm.s32 @!p2 $0x0  }
0x1d: {  	s5 =	simm.s32 @p1 $0x1;
	p0 =	seq.s32 s7, s2  }
0x1e: {  	s7 =	smul.u32 @!p0 $0xF7A, s2;
	p2 =	seq.s32 @!p0 s5, $0x0  }
0x1f: {  	s9 =	smul.u32 $0xF7A, s1;
	s8 =	simm.s32 @!p0 $0x1BF5;
	p2 =	por !p2, p0  }
0x20: {  	[sflag:s8] =	ssyncset.s32 @!p0 $0xFFFFF086;
	s6 =	sadd.s32 @!p0 s3, s7;
	s7 =	simm.s32 @!p0 $0x108  }
0x21: {  	s3 =	sadd.s32 s3, s9;
	s6 =	sadd.s32 @!p0 $0x88, s6;
	s7 =	simm.s32 @p2 $0x1082  }
0x22: {  	[simem:s7], [sflag:s8] =	dma.local @!p0 [hbm:s6], $0xF7A  }
0x23: {  	s9 =	sor.u32 $0xD0000000, s2;
	s6 =	simm.s32 $0x108;
	_ =	swait.ge @!p0 [sflag:s8], $0x0  }
0x24: {  	s3 =	sadd.s32 $0x88, s3;
	s6 =	simm.s32 @!p1 $0x1082;
	[sflag:s4] =	ssyncset.s32 $0xFFFFF086  }
0x25: {  	[simem:s6], [sflag:s4] =	dma.local [hbm:s3], $0xF7A  }
0x26: {  	[smem:$0x3F9F] =	sst s1;
	(tag) =	ssettag s2;
	_ =	strace s9  }
0x27: {  	s1 =	sld [smem:$0x3FAF]  }
0x28: {  	s2 =	sld [smem:$0x3FB0]  }
0x29: {  	s4 =	sld [smem:$0x3FB2]  }
0x2a: {  	p0 =	seq.s32 s5, $0x0;
	s5 =	sld [smem:$0x3FB3]  }
0x2b: {  	s6 =	sld [smem:$0x3FB4]  }
0x2c: {  	s7 =	sld [smem:$0x3FB5]  }
0x2d: {  	s3 =	simm.s32 $0x108;
	s8 =	sld [smem:$0x3FB6]  }
0x2e: {  	s3 =	simm.s32 @!p0 $0x1082;
	s9 =	sld [smem:$0x3FB7]  }
0x2f: {  	lr =	sadd.s32 s0, s3;
	s0 =	sld [smem:$0x3FAE]  }
0x30: {  	s3 =	sld [smem:$0x3FB1]  }
0x31: {  	[smem:$0x3FBA] =	sst s10  }
0x32: {  	s10 =	sld [smem:$0x3FB8];
	_ =	sdelay $0x3  }
0x33: {  	p0 =	seq.s32 s10, $0x1;
	s10 =	sld [smem:$0x3FBA];
	_ =	sdelay $0x3  }
0x34: {  	[smem:$0x3FBA] =	sst s10  }
0x35: {  	s10 =	sld [smem:$0x3FB9];
	_ =	sdelay $0x3  }
0x36: {  	p1 =	seq.s32 s10, $0x1;
	s10 =	sld [smem:$0x3FBA];
	_ =	sdelay $0x3  }
0x37: {  	[smem:$0x3FBA] =	sst s10  }
0x38: {  	s10 =	sld [smem:$0x3FBB]  }
0x39: {  	_ = 	snop;
	(pc) =	sbr.ind lr, $3  }
0x3a: {  	_ = 	snop  }
0x3b: {  	_ = 	snop  }
0x3c: {  	p2 =	seq.s32 s10, $0x1;
	s10 =	sld [smem:$0x3FBA]  }
0x3d: {  	_ =	shalt  }
0x3e: {  	_ =	shalt  }
0x3f: {  	_ =	shalt  }
0x40: {  	_ =	shalt  }
0x41: {  	_ =	shalt  }
0x42: {  	_ =	shalt  }
0x43: {  	_ =	shalt  }
0x44: {  	_ =	shalt  }
0x45: {  	_ =	shalt  }
0x46: {  	_ =	shalt  }
0x47: {  	_ =	shalt  }
0x48: {  	_ =	shalt  }
0x49: {  	_ =	shalt  }
0x4a: {  	_ =	shalt  }
0x4b: {  	_ =	shalt  }
0x4c: {  	_ =	shalt  }
0x4d: {  	_ =	shalt  }
0x4e: {  	_ =	shalt  }
0x4f: {  	_ =	shalt  }
0x50: {  	_ =	shalt  }
0x51: {  	_ =	shalt  }
0x52: {  	_ =	shalt  }
0x53: {  	_ =	shalt  }
0x54: {  	_ =	shalt  }
0x55: {  	_ =	shalt  }
0x56: {  	_ =	shalt  }
0x57: {  	_ =	shalt  }
0x58: {  	_ =	shalt  }
0x59: {  	_ =	shalt  }
0x5a: {  	_ =	shalt  }
0x5b: {  	_ =	shalt  }
0x5c: {  	_ =	shalt  }
0x5d: {  	_ =	shalt  }
0x5e: {  	_ =	shalt  }
0x5f: {  	_ =	shalt  }
0x60: {  	_ =	shalt  }
0x61: {  	_ =	shalt  }
0x62: {  	_ =	shalt  }
0x63: {  	_ =	shalt  }
0x64: {  	_ =	shalt  }
0x65: {  	_ =	shalt  }
0x66: {  	_ =	shalt  }
0x67: {  	_ =	shalt  }
0x68: {  	_ =	shalt  }
0x69: {  	_ =	shalt  }
0x6a: {  	_ =	shalt  }
0x6b: {  	_ =	shalt  }
0x6c: {  	_ =	shalt  }
0x6d: {  	_ =	shalt  }
0x6e: {  	_ =	shalt  }
0x6f: {  	_ =	shalt  }
0x70: {  	_ =	shalt  }
0x71: {  	_ =	shalt  }
0x72: {  	_ =	shalt  }
0x73: {  	_ =	shalt  }
0x74: {  	_ =	shalt  }
0x75: {  	_ =	shalt  }
0x76: {  	_ =	shalt  }
0x77: {  	_ =	shalt  }
0x78: {  	_ =	shalt  }
0x79: {  	_ =	shalt  }
0x7a: {  	_ =	shalt  }
0x7b: {  	_ =	shalt  }
0x7c: {  	_ =	shalt  }
0x7d: {  	_ =	shalt  }
0x7e: {  	_ =	shalt  }
0x7f: {  	_ =	shalt  }
0x80: {  	_ =	shalt  }
0x81: {  	_ =	shalt  }
0x82: {  	_ =	shalt  }
0x83: {  	_ =	shalt  }
0x84: {  	_ =	shalt  }
0x85: {  	_ =	shalt  }
0x86: {  	_ =	shalt  }
0x87: {  	_ =	shalt  }
.Lfunc_end0:
.L_simem_size_0:
called_computation.1_lowered:
.L_overlay_start_0:
0x88: {  	s2 =	sld [smem:$0x3FD9]  }
0x89: {  	s3 =	sld [smem:$0x3FFE];
	_ =	sdelay $0x1  }
0x8a: {  	s1 =	srdreg.scid  }
0x8b: {  	s0 =	sand.u32 $0x1, s1  }
0x8c: {  	s16 =	sshll.u32 s0, $0xA;
	s2 =	sadd.s32 s3, s2  }
0x8d: {  	s2 =	sadd.s32 s2, s16  }
0x8e: {  	[smem:$0x3FC6] =	sst s2  }
0x8f: {  	_ = 	snop  }
0x90: {  	(tm) =	ssettm $0x1  }
0x91: {  	s17 =	sld [smem:$0x3FFB];
	_ =	sdelay $0x3  }
0x92: {  	_ =	strace s17  }
0x93: {  	s2 =	sld [smem:$0x3FFC];
	_ =	sdelay $0x3  }
0x94: {  	_ =	strace s2  }
0x95: {  	s2 =	sld [smem:$0x3FFD];
	_ =	sdelay $0x3  }
0x96: {  	_ =	strace s2  }
0x97: {  	_ =	strace $0x8FFFFFFF  }
0x98: {  	s18 =	sld [smem:$0x3FDB];
	_ =	sdelay $0x1  }
0x99: {  	s19 =	simm.s32 $_scs_section_size  }
0x9a: {  	s4 =	simm.s32 $_size__tile_overlayer_lowered;
	s5 =	simm.s32 $_tile_overlayer_lowered  }
0x9b: {  	s22 =	simm.s32 $0x1BFF;
	s21 =	sshll.u32 s5, $0x1;
	s2 =	sadd.s32 s19, s18  }
0x9c: {  	s6 =	simm.s32 $0x0;
	s20 =	sshll.u32 s4, $0x1;
	s4 =	sadd.s32 s21, s2  }
0x9d: {  	[timem:s6], [sflag:s22] =	dma.local [hbm:s4], s20  }
0x9e: {  	_ =	swait.ge [sflag:s22], s20  }
0x9f: {  	s3 =	ssub.s32 $0x0, s20;
	[sflag:s22] =	ssyncset.done $0x0  }
0xa0: {  	[sflag:s22] =	ssyncadd.s32 s3;
	_ =	sdelay $0x1  }
0xa1: {  	s23 =	simm.s32 $0x1B8B  }
0xa2: {  	_ =	swait.ge [sflag:s23], $0x1  }
0xa3: {  	[sflag:s23] =	ssyncset.done $0x0  }
0xa4: {  	s25 =	simm.s32 $0x1B8E;
	s24 =	sld [smem:$0x3FFE];
	[sflag:s23] =	ssyncadd.s32 $0xFFFFFFFF  }
0xa5: {  	s26 =	simm.s32 $execute0_lowered;
	[smem:$0x3FD2] =	sst s25  }
0xa6: {  	s4 =	sshll.u32 s26, $0x1;
	_ =	strace $0x80000046;
	[dreg:$0x1] =	wrdreg $0xFFFFFFFF  }
0xa7: {  	s28 =	simm.s32 $_size_execute0_lowered;
	s2 =	sadd.s32 s2, s4;
	[dreg:$0x0] =	wrdreg $0x0  }
0xa8: {  	s4 =	sshll.u32 s28, $0x1;
	[dreg:$0x2] =	wrdreg s2  }
0xa9: {  	[dreg:$0x3] =	wrdreg s4  }
0xaa: {  	[dreg:$0x4] =	wrdreg $0xC0  }
0xab: {  	_ =	task [dreg:s6], $0x5FFFF  }
0xac: {  	[dreg:$0x1] =	wrdreg $0xFFFFFFFF  }
0xad: {  	[dreg:$0x0] =	wrdreg $0x60  }
0xae: {  	[dreg:$0x2] =	wrdreg s24  }
0xaf: {  	[dreg:$0x3] =	wrdreg $0x9  }
0xb0: {  	_ =	task.clear_ibuf [dreg:s6], $0x4FFFF;
	_ =	strace $0x90000046  }
0xb1: {  	s29 =	simm.s32 $0x9;
	_ =	strace $0x80000048  }
0xb2: {  	_ =	swait.ge [sflag:s29], $0x1  }
0xb3: {  	[sflag:s29] =	ssyncadd.s32 $0xFFFFFFFF  }
0xb4: {  	_ =	strace $0x90000048  }
0xb5: {  	_ =	sfence  }
0xb6: {  	s30 =	sld [smem:$0x0];
	_ =	sdelay $0x2  }
0xb7: {  	s31 =	sshll.u32 s1, $0xD;
	s1 =	sshrl.u32 s1, $0x2  }
0xb8: {  	s3 =	sand.u32 $0x4000, s31;
	s1 =	sadd.s32 s1, s30  }
0xb9: {  	s0 =	sor.u32 s3, s0;
	s1 =	sshll.u32 s1, $0x11  }
0xba: {  	s0 =	sor.u32 s1, s0  }
0xbb: {  	s0 =	sadd.s32 $0x8F2B, s0  }
0xbc: {  	[sflag:s0] =	ssyncadd.remote.s32 $0x1  }
0xbd: {  	_ =	sfence.sel $0xFFFF  }
0xbe: {  	[dreg:$0x0] =	wrdreg $0xFFFFFFFF;
	(pc) =	sbr.abs _section_cstart, $3  }
0xbf: {  	[dreg:$0x1] =	wrdreg $0xFFFFFFFF  }
0xc0: {  	_ =	task.clear_ibuf [dreg:s6], $0x2FFFF;
	_ =	strace $0x9FFFFFFF  }
0xc1: {  	(tm) =	ssettm $0x7FFFFFFF  }
tec
execute0_lowered:
.L_overlay_start_1:
0x0: {  	(tag) =	ssettag $0x1  }
0x1: {  	s0 =	srdreg.scid  }
0x2: {  	s8 =	stileid.u32;
	s2 =	rddreg [dreg:$0x0]  }
0x3: {  	s3 =	simm.s32 $0x0;
	s29 =	simm.s32 $0x8;
	s5 =	smul.u32 $0x640000, s8  }
0x4: {  	s0 =	sand.u32 $0x1, s0;
	s1 =	sshll.u32 s8, $0x1;
	s8 =	smul.u32 $0xC800, s8  }
0x5: {  	[smem:$0x7FF] =	sst s3;
	s1 =	sor.u32 s0, s1;
	s6 =	smul.u32 $0x320000, s0  }
0x6: {  	s3 =	sadd.s32 $0x19800, s2;
	s7 =	ssub.s32 $0x2, s0;
	s4 =	smul.u32 $0xC80, s1  }
0x7: {  	_ =	strace $0x80000047;
	s1 =	smul.u32 $0x320000, s1;
	s9 =	sshrl.u32 s7, $0x1  }
0x8: {  	s0 =	smul.u32 $0x6400, s0;
	s7 =	ssub.s32 s7, s9;
	s4 =	sadd.s32 s4, s2  }
0x9: {  	s2 =	sadd.s32 $0xDCE00, s2;
	s1 =	sshrl.u32 s1, $0x3;
	s28 =	smax.u32 s7, $0x1  }
0xa: {  	s4 =	sadd.s32 $0x800, s4;
	s1 =	sadd.s32 s2, s1;
	[dreg:$0x13] =	wrdreg s28  }
0xb: {  	s0 =	sadd.s32 s0, s8;
	[dreg:$0xa] =	wrdreg s4;
	s14 =	sadd.s32 $0x60000, s1  }
0xc: {  	s0 =	sshll.u32 s0, $0x4;
	s15 =	sadd.s32 $0x60800, s1;
	[dreg:$0xb] =	wrdreg s14  }
0xd: {  	s0 =	sadd.s32 s0, s2;
	s17 =	sadd.s32 $0x61000, s1;
	[dreg:$0xc] =	wrdreg s15  }
0xe: {  	s10 =	simm.s32 $0x10;
	s16 =	sadd.s32 $0x3800, s0;
	[dreg:$0xd] =	wrdreg s17  }
0xf: {  	s12 =	simm.s32 $0x0;
	s19 =	sadd.s32 $0x61800, s1;
	[dreg:$0x3] =	wrdreg s16  }
0x10: {  	s31 =	simm.s32 $0x14400;
	s18 =	sadd.s32 $0x3000, s0;
	[dreg:$0xe] =	wrdreg s19  }
0x11: {  	s30 =	simm.s32 $0x12400;
	s21 =	sadd.s32 $0x62000, s1;
	[dreg:$0x4] =	wrdreg s18  }
0x12: {  	s13 =	sadd.s32 s6, s5;
	s20 =	sadd.s32 $0x2800, s0;
	[dreg:$0xf] =	wrdreg s21  }
0x13: {  	s5 =	simm.s32 $0xB;
	s23 =	sadd.s32 $0x62800, s1;
	[dreg:$0x5] =	wrdreg s20  }
0x14: {  	s6 =	simm.s32 $0xC;
	s22 =	sadd.s32 $0x2000, s0;
	[dreg:$0x10] =	wrdreg s23  }
0x15: {  	s8 =	simm.s32 $0xE;
	s25 =	sadd.s32 $0x63000, s1;
	[dreg:$0x6] =	wrdreg s22  }
0x16: {  	s9 =	simm.s32 $0xF;
	s24 =	sadd.s32 $0x1800, s0;
	[dreg:$0x11] =	wrdreg s25  }
0x17: {  	s7 =	simm.s32 $0xD;
	s1 =	sadd.s32 $0x63800, s1;
	[dreg:$0x7] =	wrdreg s24  }
0x18: {  	s4 =	sshrl.u32 s13, $0x3;
	s26 =	sadd.s32 $0x1000, s0;
	[dreg:$0x12] =	wrdreg s1  }
0x19: {  	s0 =	sadd.s32 $0x800, s0;
	s4 =	sadd.s32 s4, s2;
	[dreg:$0x8] =	wrdreg s26  }
0x1a: {  	[dreg:$0x9] =	wrdreg s0;
	s15 =	simm.s32 $0x80;
	s1 =	simm.s32 $0x40  }
0x1b: {  	s0 =	simm.s32 $0x2;
	s18 =	simm.s32 $0x3;
	s20 =	simm.s32 $0x4  }
0x1c: {  	s22 =	simm.s32 $0x5;
	s24 =	simm.s32 $0x6;
	s26 =	simm.s32 $0x7  }
0x1d: {  	s2 =	simm.s32 $0x9;
	[dreg:$0x2] =	wrdreg s4;
	s4 =	simm.s32 $0xA  }
.LBB2_1:
0x1e: {  	[dreg:$0x14] =	wrdreg s12  }
0x1f: {  	s11 =	simm.s32 $0x0;
	s13 =	rddreg [dreg:$0xa];
	s14 =	simm.s32 $0x11  }
0x20: {  	[tilespmem:s11], [sflag:$0x11] =	stream.linear.gather [hbm4b:s13+s11], $0x6400, $0x38;
	[tilespmem:$0x16400] =	vst v63  }
0x21: {  	_ =	swait.ge [sflag:s14], $0x6400  }
0x22: {  	[sflag:s14] =	ssyncset.done $0x0  }
0x23: {  	s12 =	simm.s32 $0x6400;
	[sflag:s14] =	ssyncadd.s32 $0xFFFF9C00  }
0x24: {  	[tilespmem:s12], [sflag:$0x1] =	stream.indirect.gather [hbm4b:s3+s15], $0x40, s11, s15, $0xb8;
	[tilespmem:$0x16400] =	vst v63  }
0x25: {  	s13 =	simm.s32 $0x8400  }
0x26: {  	[tilespmem:s13], [sflag:$0x2] =	stream.indirect.gather [hbm4b:s3+s15], $0x40, s15, s15, $0xb8;
	[tilespmem:$0x16400] =	vst v63  }
0x27: {  	s16 =	simm.s32 $0x100;
	s14 =	simm.s32 $0xA400  }
0x28: {  	[tilespmem:s14], [sflag:$0x3] =	stream.indirect.gather [hbm4b:s3+s15], $0x40, s16, s15, $0xb8;
	[tilespmem:$0x16400] =	vst v63  }
0x29: {  	s17 =	simm.s32 $0x180;
	s16 =	simm.s32 $0xC400  }
0x2a: {  	[tilespmem:s16], [sflag:$0x4] =	stream.indirect.gather [hbm4b:s3+s15], $0x40, s17, s15, $0xb8;
	[tilespmem:$0x16400] =	vst v63  }
0x2b: {  	s19 =	simm.s32 $0x200;
	s17 =	simm.s32 $0xE400  }
0x2c: {  	[tilespmem:s17], [sflag:$0x5] =	stream.indirect.gather [hbm4b:s3+s15], $0x40, s19, s15, $0xb8;
	[tilespmem:$0x16400] =	vst v63  }
0x2d: {  	s21 =	simm.s32 $0x280;
	s19 =	simm.s32 $0x10400  }
0x2e: {  	[tilespmem:s19], [sflag:$0x6] =	stream.indirect.gather [hbm4b:s3+s15], $0x40, s21, s15, $0xb8;
	[tilespmem:$0x16400] =	vst v63  }
0x2f: {  	s23 =	simm.s32 $0x300;
	s21 =	simm.s32 $0x12400  }
0x30: {  	[tilespmem:s21], [sflag:$0x7] =	stream.indirect.gather [hbm4b:s3+s15], $0x40, s23, s15, $0xb8;
	[tilespmem:$0x16400] =	vst v63  }
0x31: {  	s25 =	simm.s32 $0x380;
	s23 =	simm.s32 $0x14400  }
0x32: {  	[tilespmem:s23], [sflag:$0x8] =	stream.indirect.gather [hbm4b:s3+s15], $0x40, s25, s15, $0xb8;
	[tilespmem:$0x16400] =	vst v63  }
0x33: {  	s25 =	simm.s32 $0x1  }
0x34: {  	_ =	swait.ge [sflag:s25], $0x2000  }
0x35: {  	s28 =	rddreg [dreg:$0x2];
	[sflag:s25] =	ssyncset.done $0x0  }
0x36: {  	[sflag:s25] =	ssyncadd.s32 $0xFFFFE000;
	s11 =	sadd.s32 $0x0, s28  }
0x37: {  	[hbm4b:s11+s1] =	stream.strided.scatter [tilespmem:s12], [sflag:$0x9], $0x2000, s15, s1, $0x38;
	[tilespmem:$0x16400] =	vst v63  }
0x38: {  	_ =	swait.ge [sflag:s0], $0x2000  }
0x39: {  	s25 =	rddreg [dreg:$0x9];
	[sflag:s0] =	ssyncset.done $0x0  }
0x3a: {  	[sflag:s0] =	ssyncadd.s32 $0xFFFFE000;
	s11 =	sadd.s32 $0x0, s25  }
0x3b: {  	[hbm4b:s11+s1] =	stream.strided.scatter [tilespmem:s13], [sflag:$0xA], $0x2000, s15, s1, $0x38;
	[tilespmem:$0x16400] =	vst v63  }
0x3c: {  	_ =	swait.ge [sflag:s18], $0x2000  }
0x3d: {  	s28 =	rddreg [dreg:$0x8];
	[sflag:s18] =	ssyncset.done $0x0  }
0x3e: {  	[sflag:s18] =	ssyncadd.s32 $0xFFFFE000;
	s11 =	sadd.s32 $0x0, s28  }
0x3f: {  	[hbm4b:s11+s1] =	stream.strided.scatter [tilespmem:s14], [sflag:$0xB], $0x2000, s15, s1, $0x38;
	[tilespmem:$0x16400] =	vst v63  }
0x40: {  	_ =	swait.ge [sflag:s20], $0x2000  }
0x41: {  	s25 =	rddreg [dreg:$0x7];
	[sflag:s20] =	ssyncset.done $0x0  }
0x42: {  	[sflag:s20] =	ssyncadd.s32 $0xFFFFE000;
	s11 =	sadd.s32 $0x0, s25  }
0x43: {  	[hbm4b:s11+s1] =	stream.strided.scatter [tilespmem:s16], [sflag:$0xC], $0x2000, s15, s1, $0x38;
	[tilespmem:$0x16400] =	vst v63  }
0x44: {  	_ =	swait.ge [sflag:s22], $0x2000  }
0x45: {  	s28 =	rddreg [dreg:$0x6];
	[sflag:s22] =	ssyncset.done $0x0  }
0x46: {  	[sflag:s22] =	ssyncadd.s32 $0xFFFFE000;
	s11 =	sadd.s32 $0x0, s28  }
0x47: {  	[hbm4b:s11+s1] =	stream.strided.scatter [tilespmem:s17], [sflag:$0xD], $0x2000, s15, s1, $0x38;
	[tilespmem:$0x16400] =	vst v63  }
0x48: {  	_ =	swait.ge [sflag:s24], $0x2000  }
0x49: {  	s25 =	rddreg [dreg:$0x5];
	[sflag:s24] =	ssyncset.done $0x0  }
0x4a: {  	[sflag:s24] =	ssyncadd.s32 $0xFFFFE000;
	s11 =	sadd.s32 $0x0, s25  }
0x4b: {  	[hbm4b:s11+s1] =	stream.strided.scatter [tilespmem:s19], [sflag:$0xE], $0x2000, s15, s1, $0x38;
	[tilespmem:$0x16400] =	vst v63  }
0x4c: {  	_ =	swait.ge [sflag:s26], $0x2000  }
0x4d: {  	s28 =	rddreg [dreg:$0x4];
	[sflag:s26] =	ssyncset.done $0x0  }
0x4e: {  	[sflag:s26] =	ssyncadd.s32 $0xFFFFE000;
	s11 =	sadd.s32 $0x0, s28  }
0x4f: {  	[hbm4b:s11+s1] =	stream.strided.scatter [tilespmem:s21], [sflag:$0xF], $0x2000, s15, s1, $0x38;
	[tilespmem:$0x16400] =	vst v63  }
0x50: {  	_ =	swait.ge [sflag:s29], $0x2000  }
0x51: {  	s25 =	rddreg [dreg:$0x3];
	[sflag:s29] =	ssyncset.done $0x0  }
0x52: {  	[sflag:s29] =	ssyncadd.s32 $0xFFFFE000;
	s11 =	sadd.s32 $0x0, s25  }
0x53: {  	[hbm4b:s11+s1] =	stream.strided.scatter [tilespmem:s23], [sflag:$0x10], $0x2000, s15, s1, $0x38;
	[tilespmem:$0x16400] =	vst v63  }
0x54: {  	_ =	swait.ge [sflag:s2], $0x2000  }
0x55: {  	[sflag:s2] =	ssyncset.done $0x0  }
0x56: {  	s28 =	simm.s32 $0x400;
	[sflag:s2] =	ssyncadd.s32 $0xFFFFE000  }
0x57: {  	[tilespmem:s12], [sflag:$0x1] =	stream.indirect.gather [hbm4b:s3+s15], $0x40, s28, s15, $0xb8;
	[tilespmem:$0x16400] =	vst v63  }
0x58: {  	_ =	swait.ge [sflag:s4], $0x2000  }
0x59: {  	[sflag:s4] =	ssyncset.done $0x0  }
0x5a: {  	s12 =	simm.s32 $0x480;
	[sflag:s4] =	ssyncadd.s32 $0xFFFFE000  }
0x5b: {  	[tilespmem:s13], [sflag:$0x2] =	stream.indirect.gather [hbm4b:s3+s15], $0x40, s12, s15, $0xb8;
	[tilespmem:$0x16400] =	vst v63  }
0x5c: {  	_ =	swait.ge [sflag:s5], $0x2000  }
0x5d: {  	[sflag:s5] =	ssyncset.done $0x0  }
0x5e: {  	s13 =	simm.s32 $0x500;
	[sflag:s5] =	ssyncadd.s32 $0xFFFFE000  }
0x5f: {  	[tilespmem:s14], [sflag:$0x3] =	stream.indirect.gather [hbm4b:s3+s15], $0x40, s13, s15, $0xb8;
	[tilespmem:$0x16400] =	vst v63  }
0x60: {  	_ =	swait.ge [sflag:s6], $0x2000  }
0x61: {  	[sflag:s6] =	ssyncset.done $0x0  }
0x62: {  	s14 =	simm.s32 $0x580;
	[sflag:s6] =	ssyncadd.s32 $0xFFFFE000  }
0x63: {  	[tilespmem:s16], [sflag:$0x4] =	stream.indirect.gather [hbm4b:s3+s15], $0x40, s14, s15, $0xb8;
	[tilespmem:$0x16400] =	vst v63  }
0x64: {  	_ =	swait.ge [sflag:s7], $0x2000  }
0x65: {  	[sflag:s7] =	ssyncset.done $0x0  }
0x66: {  	s23 =	simm.s32 $0x600;
	[sflag:s7] =	ssyncadd.s32 $0xFFFFE000  }
0x67: {  	[tilespmem:s17], [sflag:$0x5] =	stream.indirect.gather [hbm4b:s3+s15], $0x40, s23, s15, $0xb8;
	[tilespmem:$0x16400] =	vst v63  }
0x68: {  	_ =	swait.ge [sflag:s8], $0x2000  }
0x69: {  	[sflag:s8] =	ssyncset.done $0x0  }
0x6a: {  	s25 =	simm.s32 $0x680;
	[sflag:s8] =	ssyncadd.s32 $0xFFFFE000  }
0x6b: {  	[tilespmem:s19], [sflag:$0x6] =	stream.indirect.gather [hbm4b:s3+s15], $0x40, s25, s15, $0xb8;
	[tilespmem:$0x16400] =	vst v63  }
0x6c: {  	_ =	swait.ge [sflag:s9], $0x2000  }
0x6d: {  	[sflag:s9] =	ssyncset.done $0x0  }
0x6e: {  	s28 =	simm.s32 $0x700;
	[sflag:s9] =	ssyncadd.s32 $0xFFFFE000  }
0x6f: {  	[tilespmem:s21], [sflag:$0x7] =	stream.indirect.gather [hbm4b:s3+s15], $0x40, s28, s15, $0xb8;
	[tilespmem:$0x16400] =	vst v63  }
0x70: {  	_ =	swait.ge [sflag:s10], $0x2000  }
0x71: {  	s12 =	simm.s32 $0x780;
	[sflag:s10] =	ssyncset.done $0x0  }
0x72: {  	s13 =	simm.s32 $0x4000;
	s14 =	simm.s32 $0xB80;
	[sflag:s10] =	ssyncadd.s32 $0xFFFFE000  }
.LBB2_2:
0x73: {  	[tilespmem:s31], [sflag:$0x8] =	stream.indirect.gather [hbm4b:s3+s15], $0x40, s12, s15, $0xb8;
	[tilespmem:$0x16400] =	vst v63  }
0x74: {  	s17 =	simm.s32 $0x1  }
0x75: {  	_ =	swait.ge [sflag:s17], $0x2000  }
0x76: {  	s11 =	smov.u32 s13;
	s16 =	rddreg [dreg:$0x2];
	[sflag:s17] =	ssyncset.done $0x0  }
0x77: {  	[sflag:s17] =	ssyncadd.s32 $0xFFFFE000;
	s16 =	sadd.s32 s11, s16;
	s17 =	simm.s32 $0x6400  }
0x78: {  	[hbm4b:s16+s1] =	stream.strided.scatter [tilespmem:s17], [sflag:$0x9], $0x2000, s15, s1, $0x38;
	[tilespmem:$0x16400] =	vst v63  }
0x79: {  	_ =	swait.ge [sflag:s0], $0x2000  }
0x7a: {  	s19 =	rddreg [dreg:$0x9];
	[sflag:s0] =	ssyncset.done $0x0  }
0x7b: {  	[sflag:s0] =	ssyncadd.s32 $0xFFFFE000;
	s16 =	sadd.s32 s11, s19;
	s19 =	simm.s32 $0x8400  }
0x7c: {  	[hbm4b:s16+s1] =	stream.strided.scatter [tilespmem:s19], [sflag:$0xA], $0x2000, s15, s1, $0x38;
	[tilespmem:$0x16400] =	vst v63  }
0x7d: {  	_ =	swait.ge [sflag:s18], $0x2000  }
0x7e: {  	s21 =	rddreg [dreg:$0x8];
	[sflag:s18] =	ssyncset.done $0x0  }
0x7f: {  	[sflag:s18] =	ssyncadd.s32 $0xFFFFE000;
	s16 =	sadd.s32 s11, s21;
	s21 =	simm.s32 $0xA400  }
0x80: {  	[hbm4b:s16+s1] =	stream.strided.scatter [tilespmem:s21], [sflag:$0xB], $0x2000, s15, s1, $0x38;
	[tilespmem:$0x16400] =	vst v63  }
0x81: {  	_ =	swait.ge [sflag:s20], $0x2000  }
0x82: {  	s23 =	rddreg [dreg:$0x7];
	[sflag:s20] =	ssyncset.done $0x0  }
0x83: {  	[sflag:s20] =	ssyncadd.s32 $0xFFFFE000;
	s16 =	sadd.s32 s11, s23;
	s23 =	simm.s32 $0xC400  }
0x84: {  	[hbm4b:s16+s1] =	stream.strided.scatter [tilespmem:s23], [sflag:$0xC], $0x2000, s15, s1, $0x38;
	[tilespmem:$0x16400] =	vst v63  }
0x85: {  	_ =	swait.ge [sflag:s22], $0x2000  }
0x86: {  	s25 =	rddreg [dreg:$0x6];
	[sflag:s22] =	ssyncset.done $0x0  }
0x87: {  	[sflag:s22] =	ssyncadd.s32 $0xFFFFE000;
	s16 =	sadd.s32 s11, s25;
	s25 =	simm.s32 $0xE400  }
0x88: {  	[hbm4b:s16+s1] =	stream.strided.scatter [tilespmem:s25], [sflag:$0xD], $0x2000, s15, s1, $0x38;
	[tilespmem:$0x16400] =	vst v63  }
0x89: {  	_ =	swait.ge [sflag:s24], $0x2000  }
0x8a: {  	s16 =	rddreg [dreg:$0x5];
	[sflag:s24] =	ssyncset.done $0x0  }
0x8b: {  	s28 =	simm.s32 $0x10400;
	[sflag:s24] =	ssyncadd.s32 $0xFFFFE000;
	s16 =	sadd.s32 s11, s16  }
0x8c: {  	[hbm4b:s16+s1] =	stream.strided.scatter [tilespmem:s28], [sflag:$0xE], $0x2000, s15, s1, $0x38;
	[tilespmem:$0x16400] =	vst v63  }
0x8d: {  	_ =	swait.ge [sflag:s26], $0x2000  }
0x8e: {  	s16 =	rddreg [dreg:$0x4];
	[sflag:s26] =	ssyncset.done $0x0  }
0x8f: {  	[sflag:s26] =	ssyncadd.s32 $0xFFFFE000;
	s16 =	sadd.s32 s11, s16  }
0x90: {  	[hbm4b:s16+s1] =	stream.strided.scatter [tilespmem:s30], [sflag:$0xF], $0x2000, s15, s1, $0x38;
	[tilespmem:$0x16400] =	vst v63  }
0x91: {  	_ =	swait.ge [sflag:s29], $0x2000  }
0x92: {  	s16 =	rddreg [dreg:$0x3];
	[sflag:s29] =	ssyncset.done $0x0  }
0x93: {  	[sflag:s29] =	ssyncadd.s32 $0xFFFFE000;
	s11 =	sadd.s32 s11, s16  }
0x94: {  	[hbm4b:s11+s1] =	stream.strided.scatter [tilespmem:s31], [sflag:$0x10], $0x2000, s15, s1, $0x38;
	[tilespmem:$0x16400] =	vst v63  }
0x95: {  	_ =	swait.ge [sflag:s2], $0x2000  }
0x96: {  	[sflag:s2] =	ssyncset.done $0x0  }
0x97: {  	s11 =	sadd.s32 $0xFFFFFC80, s14;
	[sflag:s2] =	ssyncadd.s32 $0xFFFFE000  }
0x98: {  	[tilespmem:s17], [sflag:$0x1] =	stream.indirect.gather [hbm4b:s3+s15], $0x40, s11, s15, $0xb8;
	[tilespmem:$0x16400] =	vst v63  }
0x99: {  	_ =	swait.ge [sflag:s4], $0x2000  }
0x9a: {  	[sflag:s4] =	ssyncset.done $0x0  }
0x9b: {  	s11 =	sadd.s32 $0xFFFFFD00, s14;
	[sflag:s4] =	ssyncadd.s32 $0xFFFFE000  }
0x9c: {  	[tilespmem:s19], [sflag:$0x2] =	stream.indirect.gather [hbm4b:s3+s15], $0x40, s11, s15, $0xb8;
	[tilespmem:$0x16400] =	vst v63  }
0x9d: {  	_ =	swait.ge [sflag:s5], $0x2000  }
0x9e: {  	[sflag:s5] =	ssyncset.done $0x0  }
0x9f: {  	s11 =	sadd.s32 $0xFFFFFD80, s14;
	[sflag:s5] =	ssyncadd.s32 $0xFFFFE000  }
0xa0: {  	[tilespmem:s21], [sflag:$0x3] =	stream.indirect.gather [hbm4b:s3+s15], $0x40, s11, s15, $0xb8;
	[tilespmem:$0x16400] =	vst v63  }
0xa1: {  	_ =	swait.ge [sflag:s6], $0x2000  }
0xa2: {  	[sflag:s6] =	ssyncset.done $0x0  }
0xa3: {  	s11 =	sadd.s32 $0xFFFFFE00, s14;
	[sflag:s6] =	ssyncadd.s32 $0xFFFFE000  }
0xa4: {  	[tilespmem:s23], [sflag:$0x4] =	stream.indirect.gather [hbm4b:s3+s15], $0x40, s11, s15, $0xb8;
	[tilespmem:$0x16400] =	vst v63  }
0xa5: {  	_ =	swait.ge [sflag:s7], $0x2000  }
0xa6: {  	[sflag:s7] =	ssyncset.done $0x0  }
0xa7: {  	s11 =	sadd.s32 $0xFFFFFE80, s14;
	[sflag:s7] =	ssyncadd.s32 $0xFFFFE000  }
0xa8: {  	[tilespmem:s25], [sflag:$0x5] =	stream.indirect.gather [hbm4b:s3+s15], $0x40, s11, s15, $0xb8;
	[tilespmem:$0x16400] =	vst v63  }
0xa9: {  	_ =	swait.ge [sflag:s8], $0x2000  }
0xaa: {  	[sflag:s8] =	ssyncset.done $0x0  }
0xab: {  	s12 =	smov.u32 s14;
	s11 =	sadd.s32 $0xFFFFFF00, s14;
	[sflag:s8] =	ssyncadd.s32 $0xFFFFE000  }
0xac: {  	[tilespmem:s28], [sflag:$0x6] =	stream.indirect.gather [hbm4b:s3+s15], $0x40, s11, s15, $0xb8;
	[tilespmem:$0x16400] =	vst v63  }
0xad: {  	p0 =	sne.s32 s13, $0x5C000;
	s13 =	sadd.s32 $0x4000, s13;
	_ =	swait.ge [sflag:s9], $0x2000  }
0xae: {  	s16 =	simm.s32 $0x6400;
	s17 =	simm.s32 $0x8400;
	[sflag:s9] =	ssyncset.done $0x0  }
.Ltmp0:
0xaf: {  	s11 =	sadd.s32 $0xFFFFFF80, s14;
	[sflag:s9] =	ssyncadd.s32 $0xFFFFE000;
	(pc) =	sbr.rel @p0 .LBB2_2-.Ltmp0, $4  }
0xb0: {  	[tilespmem:s30], [sflag:$0x7] =	stream.indirect.gather [hbm4b:s3+s15], $0x40, s11, s15, $0xb8;
	[tilespmem:$0x16400] =	vst v63  }
0xb1: {  	s19 =	simm.s32 $0xA400;
	s21 =	simm.s32 $0xC400;
	_ =	swait.ge [sflag:s10], $0x2000  }
0xb2: {  	s23 =	simm.s32 $0xE400;
	s25 =	simm.s32 $0x10400;
	[sflag:s10] =	ssyncset.done $0x0  }
0xb3: {  	s28 =	simm.s32 $0x12400;
	s14 =	sadd.s32 $0x400, s14;
	[sflag:s10] =	ssyncadd.s32 $0xFFFFE000  }
0xb4: {  	s13 =	simm.s32 $0x14400;
	s11 =	simm.s32 $0x1  }
0xb5: {  	[tilespmem:s13], [sflag:$0x8] =	stream.indirect.gather [hbm4b:s3+s15], $0x40, s12, s15, $0xb8;
	[tilespmem:$0x16400] =	vst v63  }
0xb6: {  	_ =	swait.ge [sflag:s11], $0x2000  }
0xb7: {  	[sflag:s11] =	ssyncset.done $0x0  }
0xb8: {  	s14 =	rddreg [dreg:$0xb];
	[sflag:s11] =	ssyncadd.s32 $0xFFFFE000  }
0xb9: {  	[hbm4b:s14+s1] =	stream.strided.scatter [tilespmem:s16], [sflag:$0x9], $0x2000, s15, s1, $0x38;
	[tilespmem:$0x16400] =	vst v63  }
0xba: {  	_ =	swait.ge [sflag:s0], $0x2000  }
0xbb: {  	[sflag:s0] =	ssyncset.done $0x0  }
0xbc: {  	s12 =	rddreg [dreg:$0xc];
	[sflag:s0] =	ssyncadd.s32 $0xFFFFE000  }
0xbd: {  	[hbm4b:s12+s1] =	stream.strided.scatter [tilespmem:s17], [sflag:$0xA], $0x2000, s15, s1, $0x38;
	[tilespmem:$0x16400] =	vst v63  }
0xbe: {  	_ =	swait.ge [sflag:s18], $0x2000  }
0xbf: {  	[sflag:s18] =	ssyncset.done $0x0  }
0xc0: {  	s14 =	rddreg [dreg:$0xd];
	[sflag:s18] =	ssyncadd.s32 $0xFFFFE000  }
0xc1: {  	[hbm4b:s14+s1] =	stream.strided.scatter [tilespmem:s19], [sflag:$0xB], $0x2000, s15, s1, $0x38;
	[tilespmem:$0x16400] =	vst v63  }
0xc2: {  	_ =	swait.ge [sflag:s20], $0x2000  }
0xc3: {  	[sflag:s20] =	ssyncset.done $0x0  }
0xc4: {  	s16 =	rddreg [dreg:$0xe];
	[sflag:s20] =	ssyncadd.s32 $0xFFFFE000  }
0xc5: {  	[hbm4b:s16+s1] =	stream.strided.scatter [tilespmem:s21], [sflag:$0xC], $0x2000, s15, s1, $0x38;
	[tilespmem:$0x16400] =	vst v63  }
0xc6: {  	_ =	swait.ge [sflag:s22], $0x2000  }
0xc7: {  	[sflag:s22] =	ssyncset.done $0x0  }
0xc8: {  	s17 =	rddreg [dreg:$0xf];
	[sflag:s22] =	ssyncadd.s32 $0xFFFFE000  }
0xc9: {  	[hbm4b:s17+s1] =	stream.strided.scatter [tilespmem:s23], [sflag:$0xD], $0x2000, s15, s1, $0x38;
	[tilespmem:$0x16400] =	vst v63  }
0xca: {  	_ =	swait.ge [sflag:s24], $0x2000  }
0xcb: {  	[sflag:s24] =	ssyncset.done $0x0  }
0xcc: {  	s19 =	rddreg [dreg:$0x10];
	[sflag:s24] =	ssyncadd.s32 $0xFFFFE000  }
0xcd: {  	[hbm4b:s19+s1] =	stream.strided.scatter [tilespmem:s25], [sflag:$0xE], $0x2000, s15, s1, $0x38;
	[tilespmem:$0x16400] =	vst v63  }
0xce: {  	_ =	swait.ge [sflag:s26], $0x2000  }
0xcf: {  	[sflag:s26] =	ssyncset.done $0x0  }
0xd0: {  	s21 =	rddreg [dreg:$0x11];
	[sflag:s26] =	ssyncadd.s32 $0xFFFFE000  }
0xd1: {  	[hbm4b:s21+s1] =	stream.strided.scatter [tilespmem:s28], [sflag:$0xF], $0x2000, s15, s1, $0x38;
	[tilespmem:$0x16400] =	vst v63  }
0xd2: {  	_ =	swait.ge [sflag:s29], $0x2000  }
0xd3: {  	[sflag:s29] =	ssyncset.done $0x0  }
0xd4: {  	s23 =	rddreg [dreg:$0x12];
	[sflag:s29] =	ssyncadd.s32 $0xFFFFE000  }
0xd5: {  	[hbm4b:s23+s1] =	stream.strided.scatter [tilespmem:s13], [sflag:$0x10], $0x2000, s15, s1, $0x38;
	[tilespmem:$0x16400] =	vst v63  }
0xd6: {  	_ =	swait.ge [sflag:s2], $0x2000  }
0xd7: {  	[sflag:s2] =	ssyncset.done $0x0  }
0xd8: {  	[sflag:s2] =	ssyncadd.s32 $0xFFFFE000  }
0xd9: {  	_ =	swait.ge [sflag:s4], $0x2000  }
0xda: {  	[sflag:s4] =	ssyncset.done $0x0  }
0xdb: {  	[sflag:s4] =	ssyncadd.s32 $0xFFFFE000  }
0xdc: {  	_ =	swait.ge [sflag:s5], $0x2000  }
0xdd: {  	[sflag:s5] =	ssyncset.done $0x0  }
0xde: {  	[sflag:s5] =	ssyncadd.s32 $0xFFFFE000  }
0xdf: {  	_ =	swait.ge [sflag:s6], $0x2000  }
0xe0: {  	[sflag:s6] =	ssyncset.done $0x0  }
0xe1: {  	[sflag:s6] =	ssyncadd.s32 $0xFFFFE000  }
0xe2: {  	_ =	swait.ge [sflag:s7], $0x2000  }
0xe3: {  	[sflag:s7] =	ssyncset.done $0x0  }
0xe4: {  	[sflag:s7] =	ssyncadd.s32 $0xFFFFE000  }
0xe5: {  	_ =	swait.ge [sflag:s8], $0x2000  }
0xe6: {  	[sflag:s8] =	ssyncset.done $0x0  }
0xe7: {  	[sflag:s8] =	ssyncadd.s32 $0xFFFFE000  }
0xe8: {  	_ =	swait.ge [sflag:s9], $0x2000  }
0xe9: {  	[sflag:s9] =	ssyncset.done $0x0  }
0xea: {  	[sflag:s9] =	ssyncadd.s32 $0xFFFFE000  }
0xeb: {  	_ =	swait.ge [sflag:s10], $0x2000  }
0xec: {  	s25 =	rddreg [dreg:$0x14]  }
0xed: {  	s28 =	rddreg [dreg:$0x13];
	s12 =	sadd.s32 $0x1, s25  }
0xee: {  	p0 =	sne.s32 s12, s28  }
.Ltmp1:
0xef: {  	_ = 	snop;
	(pc) =	sbr.rel @p0 .LBB2_1-.Ltmp1, $3  }
0xf0: {  	_ =	sdelay $0x1  }
0xf1: {  	[sflag:s10] =	ssyncset.done $0x0  }
0xf2: {  	[sflag:s10] =	ssyncadd.s32 $0xFFFFE000  }
0xf3: {  	_ =	sfence.sel $0x180000  }
0xf4: {  	[bflag:$0x0] =	sbarrier.arrive $0xFFFF  }
0xf5: {  	_ =	strace $0x90000047  }
0xf6: {  	s0 =	stileid.u32;
	[bflag:$0x2] =	sbarrier.arrive $0xFFFF  }
0xf7: {  	p0 =	sne.s32 s0, $0x0;
	s0 =	rddreg [dreg:$0x1]  }
0xf8: {  	s0 =	sadd.s32 @!p0 $0x100000, s0  }
0xf9: {  	[sflag:s0] =	ssyncadd.tile.s32 @!p0 $0x1;
	_ =	shalt  }
.Lfunc_end2:
_tile_overlayer_lowered:
.L_overlay_start_2:
0xfa: {  	(tag) =	ssettag $0x2  }
0xfb: {  	s0 =	rddreg [dreg:$0x0];
	s2 =	stileid.u32  }
0xfc: {  	s1 =	rddreg [dreg:$0x1];
	p0 =	sne.s32 s2, $0x0  }
0xfd: {  	s3 =	rddreg [dreg:$0x2];
	[bflag:$0x3] =	sbarrier.arrive $0xFFFF;
	s2 =	simm.s32 @!p0 $0x1C11  }
0xfe: {  	[timem:s3], [sflag:s2] =	dma.local @!p0 [hbm:s0], s1  }
0xff: {  	s0 =	simm.s32 @!p0 $0x11  }
0x100: {  	_ =	swait.ge @!p0 [sflag:s0], s1  }
0x101: {  	s1 =	ssub.s32 @!p0 $0x0, s1;
	[sflag:s0] =	ssyncset.done @!p0 $0x0  }
0x102: {  	[sflag:s0] =	ssyncadd.s32 @!p0 s1  }
0x103: {  	[bflag:$0x3] =	sbarrier.arrive $0xFFFF  }
0x104: {  	_ =	shalt  }

// kernel: sparse-core-data-format-call.cloned.1.call-start
scs
called_computation_lowered:
.L_overlay_start_0:
0x0: {  	s2 =	sld [smem:$0x3FD9]  }
0x1: {  	s3 =	sld [smem:$0x3FFE];
	_ =	sdelay $0x1  }
0x2: {  	s1 =	srdreg.scid  }
0x3: {  	s0 =	sand.u32 $0x1, s1  }
0x4: {  	s18 =	sshll.u32 s0, $0xA;
	s2 =	sadd.s32 s3, s2  }
0x5: {  	s2 =	sadd.s32 s2, s18  }
0x6: {  	[smem:$0x3FC6] =	sst s2  }
0x7: {  	_ = 	snop  }
0x8: {  	s2 =	sld [smem:$0x3FD0];
	(tm) =	ssettm $0x1  }
0x9: {  	s19 =	sld [smem:$0x3FFB];
	_ =	sdelay $0x3  }
0xa: {  	_ =	strace s19  }
0xb: {  	s3 =	sld [smem:$0x3FFC];
	_ =	sdelay $0x3  }
0xc: {  	_ =	strace s3  }
0xd: {  	s3 =	sld [smem:$0x3FFD];
	_ =	sdelay $0x3  }
0xe: {  	_ =	strace s3  }
0xf: {  	_ =	strace $0x8FFFFFFF  }
0x10: {  	s20 =	sld [smem:$0x3FDB];
	_ =	sdelay $0x1  }
0x11: {  	s4 =	simm.s32 $_scs_section_size  }
0x12: {  	s5 =	simm.s32 $_size__tile_overlayer_lowered;
	s6 =	simm.s32 $_tile_overlayer_lowered  }
0x13: {  	s23 =	simm.s32 $0x1BFF;
	s22 =	sshll.u32 s6, $0x1;
	s3 =	sadd.s32 s4, s20  }
0x14: {  	s7 =	simm.s32 $0x0;
	s21 =	sshll.u32 s5, $0x1;
	s5 =	sadd.s32 s22, s3  }
0x15: {  	[timem:s7], [sflag:s23] =	dma.local [hbm:s5], s21  }
0x16: {  	_ =	swait.ge [sflag:s23], s21  }
0x17: {  	s4 =	ssub.s32 $0x0, s21;
	[sflag:s23] =	ssyncset.done $0x0  }
0x18: {  	[sflag:s23] =	ssyncadd.s32 s4;
	_ =	sdelay $0x1  }
0x19: {  	s24 =	simm.s32 $0x1B8B  }
0x1a: {  	_ =	swait.ge [sflag:s24], $0x1  }
0x1b: {  	[sflag:s24] =	ssyncset.done $0x0  }
0x1c: {  	s26 =	simm.s32 $0x1B8E;
	s25 =	sld [smem:$0x3FFE];
	[sflag:s24] =	ssyncadd.s32 $0xFFFFFFFF  }
0x1d: {  	s27 =	simm.s32 $execute0_lowered;
	[smem:$0x3FD2] =	sst s26  }
0x1e: {  	s5 =	sshll.u32 s27, $0x1;
	_ =	strace $0x80000049;
	[dreg:$0x1] =	wrdreg $0xFFFFFFFF  }
0x1f: {  	s28 =	simm.s32 $_size_execute0_lowered;
	s3 =	sadd.s32 s3, s5;
	[dreg:$0x0] =	wrdreg $0x0  }
0x20: {  	s5 =	sshll.u32 s28, $0x1;
	[dreg:$0x2] =	wrdreg s3  }
0x21: {  	[dreg:$0x3] =	wrdreg s5  }
0x22: {  	[dreg:$0x4] =	wrdreg $0xC0  }
0x23: {  	_ =	task [dreg:s7], $0x5FFFF  }
0x24: {  	[dreg:$0x1] =	wrdreg $0xFFFFFFFF  }
0x25: {  	[dreg:$0x0] =	wrdreg $0x60  }
0x26: {  	[dreg:$0x2] =	wrdreg s25  }
0x27: {  	[dreg:$0x3] =	wrdreg s2  }
0x28: {  	[dreg:$0x4] =	wrdreg $0x9  }
0x29: {  	_ =	task.clear_ibuf [dreg:s7], $0x5FFFF;
	_ =	strace $0x90000049  }
0x2a: {  	s29 =	simm.s32 $0x9;
	_ =	strace $0x8000004B  }
0x2b: {  	_ =	swait.ge [sflag:s29], $0x1  }
0x2c: {  	[sflag:s29] =	ssyncadd.s32 $0xFFFFFFFF  }
0x2d: {  	_ =	strace $0x9000004B  }
0x2e: {  	_ =	sfence  }
0x2f: {  	s30 =	sld [smem:$0x0];
	_ =	sdelay $0x2  }
0x30: {  	s31 =	sshll.u32 s1, $0xD;
	s1 =	sshrl.u32 s1, $0x2  }
0x31: {  	s3 =	sand.u32 $0x4000, s31;
	s1 =	sadd.s32 s1, s30  }
0x32: {  	s0 =	sor.u32 s3, s0;
	s1 =	sshll.u32 s1, $0x11  }
0x33: {  	s0 =	sor.u32 s1, s0  }
0x34: {  	s0 =	sadd.s32 $0x8F2B, s0  }
0x35: {  	[sflag:s0] =	ssyncadd.remote.s32 $0x1  }
0x36: {  	_ =	sfence.sel $0xFFFF  }
0x37: {  	[dreg:$0x0] =	wrdreg $0xFFFFFFFF;
	(pc) =	sbr.abs _section_cstart, $3  }
0x38: {  	[dreg:$0x1] =	wrdreg $0xFFFFFFFF  }
0x39: {  	_ =	task.clear_ibuf [dreg:s7], $0x2FFFF;
	_ =	strace $0x9FFFFFFF  }
0x3a: {  	(tm) =	ssettm $0x7FFFFFFF  }
0x3b: {  	_ =	shalt  }
tec
execute0_lowered:
.L_overlay_start_1:
0x0: {  	(tag) =	ssettag $0x1  }
0x1: {  	s0 =	srdreg.scid  }
0x2: {  	s1 =	sshll.u32 s0, $0x4  }
0x3: {  	s0 =	stileid.u32;
	s1 =	sand.u32 $0x10, s1  }
0x4: {  	s1 =	sor.u32 s0, s1  }
0x5: {  	s6 =	rddreg [dreg:$0x0];
	s4 =	simm.s32 $0x1;
	s2 =	sshll.u32 s1, $0x7  }
0x6: {  	s7 =	simm.s32 $0x2;
	s12 =	simm.s32 $0x0;
	s1 =	ssub.s32 $0x1000, s2  }
0x7: {  	s8 =	simm.s32 $0x8000;
	s13 =	simm.s32 $0x0;
	s3 =	sand.u32 $0xF80, s1  }
0x8: {  	s9 =	simm.s32 $0x0;
	s5 =	sshrl.u32 s1, $0xC;
	p0 =	sne.s32 s3, $0x0  }
.Ltmp0:
0x9: {  	s1 =	rddreg [dreg:$0x2];
	s4 =	simm.s32 @!p0 $0x0;
	(pc) =	sbr.rel .LBB1_1-.Ltmp0, $4  }
0xa: {  	s11 =	simm.s32 $0x0;
	s3 =	rddreg [dreg:$0x1];
	s5 =	sadd.s32 s4, s5  }
0xb: {  	_ =	strace $0x8000004A;
	s4 =	simm.s32 $0x1;
	s5 =	smul.u32 $0xC8, s5  }
0xc: {  	s6 =	sadd.s32 $0xDCE00, s6;
	s10 =	smov.u32 s2;
	[sflag:s4] =	ssyncpa.u1 $0x0  }
0xd: {  	p0 =	por $0x0, $0x0;
	[sflag:s7] =	ssyncpa.u1 $0x0;
	s7 =	sor.u32 $0x1, s5  }
.LBB1_4:
0xe: {  	s16 =	sshll.u32 s13, $0x3;
	s17 =	sand.u32 $0x78, s13  }
0xf: {  	s30 =	sand.u32 $0x7E00, s13;
	s12 =	sshll.u32 s12, $0xF;
	s16 =	sand.u32 $0xC00, s16  }
0x10: {  	[tilespmem:s15+$0x810 ss:$0x81] =	vst.msk $0xffff, v2;
	s31 =	sand.u32 $0x7, s13;
	s16 =	sor.u32 s17, s16;
	s17 =	sadd.s32 s3, s30  }
0x11: {  	[tilespmem:s15+$0x1020 ss:$0x81] =	vst.msk $0xffff, v0;
	s13 =	sshll.u32 s31, $0x12;
	s12 =	sadd.s32 s12, s17;
	s16 =	sshrl.u32 s16, $0x3  }
0x12: {  	[tilespmem:s15+$0x0 ss:$0x81] =	vst.msk $0xffff, v1;
	s13 =	sor.u32 $0x400, s13;
	s12 =	sadd.s32 s16, s12  }
0x13: {  	[hbm4b:s12+s13] =	stream.strided.scatter [tilespmem:s14], [sflag:$0x2], $0x2000, s8, s13, $0x20;
	[tilespmem:$0x8080] =	vst v63  }
.LBB1_5:
0x14: {  	s14 =	sadd.s32 $0x1, s9  }
0x15: {  	s12 =	sadd.s32 $0x1000, s10;
	s16 =	smov.u32 s10;
	p2 =	sgt.s32 s14, $0xC7  }
0x16: {  	s16 =	smov.u32 @p2 s12  }
0x17: {  	s14 =	simm.s32 @p2 $0x0;
	p2 =	sgt.s32 s16, $0xFFF  }
0x18: {  	s16 =	smov.u32 @p2 s2;
	p2 =	sne.s32 s11, s7  }
.Ltmp1:
0x19: {  	p1 =	slt.u32 s11, $0x2;
	(pc) =	sbr.rel @!p2 .LBB1_6-.Ltmp1, $4  }
0x1a: {  	s15 =	simm.s32 @!p1 $0x2  }
0x1b: {  	s13 =	smov.u32 s10;
	p0 =	por !p0, !p0;
	_ =	swait.ge @!p1 [sflag:s15], $0x2000  }
0x1c: {  	s12 =	smov.u32 s9;
	[sflag:s15] =	ssyncset.done @!p1 $0x0;
	s9 =	smov.u32 s14  }
0x1d: {  	s11 =	sadd.s32 $0x1, s11;
	[sflag:s15] =	ssyncadd.s32 @!p1 $0xFFFFE000;
	s10 =	smov.u32 s16  }
.LBB1_1:
0x1e: {  	p1 =	sge.u32 s11, s5  }
0x1f: {  	s14 =	sand.u32 @!p1 $0x1FFFFFF, s9  }
0x20: {  	s15 =	smulhi.u32 @!p1 $0x147AE15, s14;
	_ =	sdelay $0x1  }
0x21: {  	s15 =	smul.u32 @!p1 $0xC8, s15  }
0x22: {  	s16 =	sxor.u32 @!p1 $0xFFFFFFFF, s11;
	s17 =	smul.u32 @!p1 $0xC80, s10  }
0x23: {  	s31 =	sadd.s32 $0xFFFFFFFF, s11;
	s16 =	sshll.u32 @!p1 s16, $0xD;
	s14 =	ssub.s32 @!p1 s14, s15  }
0x24: {  	s15 =	sand.u32 @!p1 $0x2000, s16;
	s16 =	sadd.s32 @!p1 s6, s17;
	s14 =	sshll.u32 @!p1 s14, $0x4  }
0x25: {  	s17 =	simm.s32 @!p1 $0x6400;
	s14 =	sadd.s32 @!p1 s14, s16;
	s16 =	simm.s32 @!p1 $0x40  }
0x26: {  	[tilespmem:s15], [sflag:$0x1] =	stream.strided.gather @!p1 [hbm4b:s14+s16], $0x2000, s17, s16, $0x38;
	[tilespmem:$0x8080] =	vst v63  }
0x27: {  	p1 =	sge.u32 s31, s5  }
.Ltmp2:
0x28: {  	_ = 	snop;
	(pc) =	sbr.rel @p1 .LBB1_5-.Ltmp2, $1  }
0x29: {  	_ =	sdelay $0x3  }
0x2a: {  	s14 =	simm.s32 $0x1  }
0x2b: {  	_ =	swait.ge [sflag:s4], $0x2000;
	s14 =	simm.s32 @!p0 $0x0  }
0x2c: {  	[sflag:s4] =	ssyncset.done $0x0;
	s15 =	sshll.u32 s14, $0xD  }
0x2d: {  	[sflag:s4] =	ssyncadd.s32 $0xFFFFE000;
	s18 =	sor.u32 $0x20, s15  }
0x2e: {  	s14 =	smul.u32 $0x8100, s14;
	v3 =	vld [tilespmem:s18+$0x10]  }
0x2f: {  	s30 =	sand.u32 $0x1, s11;
	v2 =	vld [tilespmem:s18+$0xFFFFFFF0]  }
0x30: {  	s15 =	smul.u32 $0x8100, s30;
	s14 =	sshrl.u32 s14, $0x2;
	v0 =	vld [tilespmem:s18+$0x0]  }
0x31: {  	v1 =	vld [tilespmem:s18+$0xFFFFFFE0];
	s16 =	sor.u32 $0x4000, s14  }
0x32: {  	s31 =	sshrl.u32 s15, $0x2;
	s15 =	sadd.s32 $0x0, s16  }
0x33: {  	s17 =	simm.s32 $0x4;
	s18 =	sadd.s32 $0x40, s18;
	s14 =	sor.u32 $0x4000, s31;
	[tilespmem:s15+$0x1830 ss:$0x81] =	vst.msk $0xffff, v3  }
.LBB1_3:
0x34: {  	v3 =	vld [tilespmem:s18+$0x10];
	p1 =	sne.s32 s17, $0x1FC;
	[tilespmem:s15+$0x810 ss:$0x81] =	vst.msk $0xffff, v2;
	s19 =	smov.u32 s17;
	s17 =	sadd.s32 $0x4, s17  }
.Ltmp3:
0x35: {  	v2 =	vld [tilespmem:s18+$0xFFFFFFF0];
	[tilespmem:s15+$0x1020 ss:$0x81] =	vst.msk $0xffff, v0;
	(pc) =	sbr.rel @p1 .LBB1_3-.Ltmp3, $4  }
0x36: {  	v0 =	vld [tilespmem:s18+$0x0];
	[tilespmem:s15+$0x0 ss:$0x81] =	vst.msk $0xffff, v1  }
0x37: {  	s15 =	sshra.s32 s19, $0x2;
	v1 =	vld [tilespmem:s18+$0xFFFFFFE0]  }
0x38: {  	s15 =	sadd.s32 s15, s16  }
0x39: {  	s18 =	sadd.s32 $0x40, s18;
	[tilespmem:s15+$0x1830 ss:$0x81] =	vst.msk $0xffff, v3  }
.Ltmp4:
0x3a: {  	_ = 	snop;
	(pc) =	sbr.rel .LBB1_4-.Ltmp4, $1  }
0x3b: {  	_ =	sdelay $0x3  }
.LBB1_6:
0x3c: {  	_ =	sfence.sel $0x180000  }
0x3d: {  	s2 =	simm.s32 $0x1;
	[bflag:$0x0] =	sbarrier.arrive $0xFFFF  }
0x3e: {  	s31 =	simm.s32 $0x2;
	[sflag:s2] =	ssyncpa.u1 $0x1  }
0x3f: {  	[sflag:s31] =	ssyncpa.u1 $0x1  }
0x40: {  	p0 =	sne.s32 s0, $0x0;
	_ =	strace $0x9000004A  }
0x41: {  	s0 =	sadd.s32 @!p0 $0x100000, s1;
	[bflag:$0x2] =	sbarrier.arrive $0xFFFF  }
0x42: {  	[sflag:s0] =	ssyncadd.tile.s32 @!p0 $0x1;
	_ =	shalt  }
.Lfunc_end1:
_tile_overlayer_lowered:
.L_overlay_start_2:
0x43: {  	(tag) =	ssettag $0x2  }
0x44: {  	s0 =	rddreg [dreg:$0x0];
	s2 =	stileid.u32  }
0x45: {  	s1 =	rddreg [dreg:$0x1];
	p0 =	sne.s32 s2, $0x0  }
0x46: {  	s3 =	rddreg [dreg:$0x2];
	[bflag:$0x3] =	sbarrier.arrive $0xFFFF;
	s2 =	simm.s32 @!p0 $0x1C01  }
0x47: {  	[timem:s3], [sflag:s2] =	dma.local @!p0 [hbm:s0], s1  }
0x48: {  	s0 =	simm.s32 @!p0 $0x1  }
0x49: {  	_ =	swait.ge @!p0 [sflag:s0], s1  }
0x4a: {  	s1 =	ssub.s32 @!p0 $0x0, s1;
	[sflag:s0] =	ssyncset.done @!p0 $0x0  }
0x4b: {  	[sflag:s0] =	ssyncadd.s32 @!p0 s1  }
0x4c: {  	[bflag:$0x3] =	sbarrier.arrive $0xFFFF  }
0x4d: {  	_ =	shalt  }

</sc_bundles>
